<compile_context>
chip_gen: v7x
topology: tpu7x:2x2x1
jax: 0.10.2.dev20260603
libtpu: 0.0.44.dev20260713+nightly
codegen_flags: <defaults>
</compile_context>

<pallas_src>
import functools

import jax
import jax.numpy as jnp
from jax import lax
from jax.experimental import pallas as pl
from jax.experimental.pallas import tpu as pltpu
from jax.experimental.pallas import tpu_sc as plsc

SEQ = 8192
EMB = 64
VOCAB = 1000000
NBUF = 8

_cached = None


def _build():
    global _cached
    if _cached is not None:
        return _cached

    info = plsc.get_sparse_core_info()
    nc, ns = info.num_cores, info.num_subcores
    nw = nc * ns
    bpw = SEQ // nw
    mesh = plsc.VectorSubcoreMesh(core_axis_name="c", subcore_axis_name="s")

    @functools.partial(
        pl.kernel,
        mesh=mesh,
        out_type=jax.ShapeDtypeStruct((EMB, SEQ), jnp.float32),
        scratch_types=[
            pltpu.VMEM((bpw,), jnp.int32),
            pltpu.VMEM((EMB, bpw), jnp.float32),
            pltpu.VMEM((EMB, bpw), jnp.float32),
            [pltpu.VMEM((EMB, 128), jnp.float32) for _ in range(NBUF)],
            pltpu.SemaphoreType.DMA,
            pltpu.SemaphoreType.DMA,
        ],
        compiler_params=pltpu.CompilerParams(needs_layout_passes=False),
    )
    def k(x_hbm, tokt_hbm, post_hbm, outt_hbm,
          idx_v, pos_v, out_v, bufs, sem, gsem):
        wid = lax.axis_index("s") * nc + lax.axis_index("c")
        base = wid * bpw
        iota16 = lax.iota(jnp.int32, 16)
        pltpu.sync_copy(x_hbm.at[pl.ds(base, bpw)], idx_v)
        pcp = pltpu.async_copy(
            post_hbm.at[:, pl.ds(SEQ - base - bpw, bpw)], pos_v, sem
        )

        def fire(vec, t, b):
            col = vec[t]
            c0 = pl.multiple_of((col >> 7) * 128, 128)
            return pltpu.async_copy(
                tokt_hbm.at[:, pl.ds(c0, 128)], bufs[b], gsem
            )

        def drain_extract(cp, vec, t, j0, b):
            col = vec[t]
            lane = jnp.broadcast_to(col & 127, (16,))
            j = jnp.broadcast_to(j0 + t, (16,))
            pj = jnp.broadcast_to(bpw - 1 - (j0 + t), (16,))
            cp.wait()
            for p in range(EMB // 16):
                rows = iota16 + p * 16
                vals = plsc.load_gather(bufs[b], [rows, lane])
                pvals = plsc.load_gather(pos_v, [rows, pj])
                plsc.store_scatter(out_v, [rows, j], vals + pvals)

        pcp.wait()

        def fetch_group(gg, carry):
            vec = idx_v[pl.ds(gg * 16, 16)]
            j0 = gg * 16
            cps = [fire(vec, b, b) for b in range(NBUF)]
            for b in range(16 - NBUF):
                drain_extract(cps[b], vec, b, j0, b % NBUF)
                cps.append(fire(vec, NBUF + b, b % NBUF))
            for b in range(16 - NBUF, 16):
                drain_extract(cps[b], vec, b, j0, b % NBUF)
            return carry

        lax.fori_loop(0, bpw // 16, fetch_group, 0)
        pltpu.sync_copy(out_v, outt_hbm.at[:, pl.ds(base, bpw)])

    _cached = k
    return _cached


def kernel(x, token_table, pos_table):
    outt = _build()(x.astype(jnp.int32), token_table.T, pos_table.T)
    return outt.T

# --- scband reference (transcript-rebuilt; emitter-appended) ---
"""Pipeline reference for scband-sequence-embedding-12086037971233 (READ-ONLY COPY).

The authoritative reference and input builder live on the scoring server;
editing this copy changes nothing except your own understanding.
"""

import jax, jax.numpy as jnp
import numpy as np

VOCAB = 1000000
EMBED_DIM = 64
MAX_CTX = 8192
SEQ_LEN = 8192

def setup_inputs(seed: int = 0) -> dict:
    key = jax.random.key(seed)
    k1, k2, k3 = jax.random.split(key, 3)
    x = jax.random.randint(k1, (SEQ_LEN,), 0, VOCAB, dtype=jnp.int64 if jax.config.jax_enable_x64 else jnp.int32)
    token_table = jax.random.normal(k2, (VOCAB, EMBED_DIM), dtype=jnp.float32) * 0.02
    pos_table = jax.random.normal(k3, (MAX_CTX, EMBED_DIM), dtype=jnp.float32) * 0.02
    return {"x": x, "token_table": token_table, "pos_table": pos_table}

def reference(x, token_table, pos_table):
    # pos = arange(len(x)) reversed, as in the flax module
    pos = jnp.arange(x.shape[0])[::-1]
    token_embedding = jnp.take(token_table, x, axis=0)
    position_embedding = jnp.take(pos_table, pos, axis=0)
    return token_embedding + position_embedding

if __name__ == "__main__":
    import jax
    _d = setup_inputs()
    print(jax.jit(kernel)(*tuple(_d.values())))

</pallas_src>

<mosaic_0001>
#map = affine_map<(d0, d1) -> (0)>
#map1 = affine_map<(d0, d1) -> (0, 0)>
module attributes {stable_mosaic.version = 14 : i64} {
  func.func @k(%arg0: i32, %arg1: i32, %arg2: memref<8192xi32, #tpu.memory_space<hbm>>, %arg3: memref<64x1000000xf32, #tpu.memory_space<hbm>>, %arg4: memref<64x8192xf32, #tpu.memory_space<hbm>>, %arg5: memref<64x8192xf32, #tpu.memory_space<hbm>>, %arg6: memref<256xi32, #tpu.memory_space<vmem>>, %arg7: memref<64x256xf32, #tpu.memory_space<vmem>>, %arg8: memref<64x256xf32, #tpu.memory_space<vmem>>, %arg9: memref<64x128xf32, #tpu.memory_space<vmem>>, %arg10: memref<64x128xf32, #tpu.memory_space<vmem>>, %arg11: memref<64x128xf32, #tpu.memory_space<vmem>>, %arg12: memref<64x128xf32, #tpu.memory_space<vmem>>, %arg13: memref<64x128xf32, #tpu.memory_space<vmem>>, %arg14: memref<64x128xf32, #tpu.memory_space<vmem>>, %arg15: memref<64x128xf32, #tpu.memory_space<vmem>>, %arg16: memref<64x128xf32, #tpu.memory_space<vmem>>, %arg17: memref<!tpu.dma_semaphore, #tpu.memory_space<semaphore_mem>>, %arg18: memref<!tpu.dma_semaphore, #tpu.memory_space<semaphore_mem>>) attributes {dimension_semantics = [#tpu.dimension_semantics<core_parallel>, #tpu.dimension_semantics<subcore_parallel>], iteration_bounds = array<i64: 2, 16>, scalar_prefetch = 0 : i64, scratch_operands = 13 : i64, tpu.core_type = #tpu.core_type<sc_vector_subcore>, window_params = [{transform_indices = #map}, {transform_indices = #map1}, {transform_indices = #map1}, {transform_indices = #map1}]} {
    %mul3A = arith.constant 2 : i32
    %mul3A_0 = arith.muli %arg1, %mul3A : i32
    %add3A = arith.addi %mul3A_0, %arg0 : i32
    %mul3A_1 = arith.constant 256 : i32
    %mul3A_2 = arith.muli %add3A, %mul3A_1 : i32
    %iota3A = tpu.iota {dimensions = array<i32: 0>} : vector<16xi32>
    "tpu.region"() ({
      %run_scoped3A = tpu.sem_alloc : memref<!tpu.dma_semaphore, #tpu.memory_space<semaphore_mem>>
      %dma_start3A_17 = tpu.memref_slice %arg2[%mul3A_2] : memref<8192xi32, #tpu.memory_space<hbm>> -> memref<256xi32, #tpu.memory_space<hbm>>
      %dma_start3A_18 = tpu.memref_slice %arg2[%mul3A_2] : memref<8192xi32, #tpu.memory_space<hbm>> -> memref<256xi32, #tpu.memory_space<hbm>>
      tpu.enqueue_dma source(%dma_start3A_18 : memref<256xi32, #tpu.memory_space<hbm>>) target(%arg6 : memref<256xi32, #tpu.memory_space<vmem>>) target_semaphore(%run_scoped3A : memref<!tpu.dma_semaphore, #tpu.memory_space<semaphore_mem>>)
      %dma_wait3A_19 = tpu.memref_slice %arg2[%mul3A_2] : memref<8192xi32, #tpu.memory_space<hbm>> -> memref<256xi32, #tpu.memory_space<hbm>>
      %dma_wait3A_20 = tpu.memref_slice %arg2[%mul3A_2] : memref<8192xi32, #tpu.memory_space<hbm>> -> memref<256xi32, #tpu.memory_space<hbm>>
      tpu.wait_dma2 semaphore(%run_scoped3A : memref<!tpu.dma_semaphore, #tpu.memory_space<semaphore_mem>>) src(%dma_wait3A_20 : memref<256xi32, #tpu.memory_space<hbm>>) dst(%arg6 : memref<256xi32, #tpu.memory_space<vmem>>)
      tpu.yield
    }) : () -> ()
    %sub3A = arith.constant 8192 : i32
    %sub3A_3 = arith.subi %sub3A, %mul3A_2 : i32
    %sub3A_4 = arith.constant 256 : i32
    %sub3A_5 = arith.subi %sub3A_3, %sub3A_4 : i32
    %dma_start3A = arith.constant 0 : i32
    %dma_start3A_6 = tpu.memref_slice %arg4[%dma_start3A, %sub3A_5] : memref<64x8192xf32, #tpu.memory_space<hbm>> -> memref<64x256xf32, #tpu.memory_space<hbm>>
    %dma_start3A_7 = arith.constant 0 : i32
    %dma_start3A_8 = tpu.memref_slice %arg4[%dma_start3A_7, %sub3A_5] : memref<64x8192xf32, #tpu.memory_space<hbm>> -> memref<64x256xf32, #tpu.memory_space<hbm>>
    tpu.enqueue_dma source(%dma_start3A_8 : memref<64x256xf32, #tpu.memory_space<hbm>>) target(%arg7 : memref<64x256xf32, #tpu.memory_space<vmem>>) target_semaphore(%arg17 : memref<!tpu.dma_semaphore, #tpu.memory_space<semaphore_mem>>)
    %dma_wait3A = arith.constant 0 : i32
    %dma_wait3A_9 = tpu.memref_slice %arg4[%dma_wait3A, %sub3A_5] : memref<64x8192xf32, #tpu.memory_space<hbm>> -> memref<64x256xf32, #tpu.memory_space<hbm>>
    %dma_wait3A_10 = arith.constant 0 : i32
    %dma_wait3A_11 = tpu.memref_slice %arg4[%dma_wait3A_10, %sub3A_5] : memref<64x8192xf32, #tpu.memory_space<hbm>> -> memref<64x256xf32, #tpu.memory_space<hbm>>
    tpu.wait_dma2 semaphore(%arg17 : memref<!tpu.dma_semaphore, #tpu.memory_space<semaphore_mem>>) src(%dma_wait3A_11 : memref<64x256xf32, #tpu.memory_space<hbm>>) dst(%arg7 : memref<64x256xf32, #tpu.memory_space<vmem>>)
    %scan3A = arith.constant 0 : i32
    %scan3A_12 = arith.constant 0 : i32
    %scan3A_13 = arith.constant 16 : i32
    %scan3A_14 = arith.addi %scan3A_12, %scan3A_13 : i32
    %scan3A_15 = arith.constant 1 : i32
    scf.for %scan3A_17 = %scan3A_12 to %scan3A_14 step %scan3A_15  : i32 {
      %mul3A_18 = arith.constant 16 : i32
      %mul3A_19 = arith.muli %scan3A_17, %mul3A_18 : i32
      %get3A = arith.index_cast %mul3A_19 : i32 to index
      %get3A_20 = tpu.vector_load %arg6[%get3A] {strides = array<i32>} : memref<256xi32, #tpu.memory_space<vmem>>, vector<16xi32>,
      %mul3A_21 = arith.constant 16 : i32
      %mul3A_22 = arith.muli %scan3A_17, %mul3A_21 : i32
      %slice3A = vector.extract_strided_slice %get3A_20 {offsets = [0], sizes = [1], strides = [1]} : vector<16xi32> to vector<1xi32>
      %squeeze3A = vector.extract %slice3A[0] : i32 from vector<1xi32>
      %shift_right_arithmetic3A = arith.constant 7 : i32
      %shift_right_arithmetic3A_23 = arith.shrsi %squeeze3A, %shift_right_arithmetic3A : i32
      %mul3A_24 = arith.constant 128 : i32
      %mul3A_25 = arith.muli %shift_right_arithmetic3A_23, %mul3A_24 : i32
      %multiple_of3A = tpu.assume_multiple %mul3A_25, 128 : i32
      %dma_start3A_26 = arith.constant 0 : i32
      %dma_start3A_27 = tpu.memref_slice %arg3[%dma_start3A_26, %multiple_of3A] : memref<64x1000000xf32, #tpu.memory_space<hbm>> -> memref<64x128xf32, #tpu.memory_space<hbm>>
      %dma_start3A_28 = arith.constant 0 : i32
      %dma_start3A_29 = tpu.memref_slice %arg3[%dma_start3A_28, %multiple_of3A] : memref<64x1000000xf32, #tpu.memory_space<hbm>> -> memref<64x128xf32, #tpu.memory_space<hbm>>
      tpu.enqueue_dma source(%dma_start3A_29 : memref<64x128xf32, #tpu.memory_space<hbm>>) target(%arg9 : memref<64x128xf32, #tpu.memory_space<vmem>>) target_semaphore(%arg18 : memref<!tpu.dma_semaphore, #tpu.memory_space<semaphore_mem>>)
      %slice3A_30 = vector.extract_strided_slice %get3A_20 {offsets = [1], sizes = [1], strides = [1]} : vector<16xi32> to vector<1xi32>
      %squeeze3A_31 = vector.extract %slice3A_30[0] : i32 from vector<1xi32>
      %shift_right_arithmetic3A_32 = arith.constant 7 : i32
      %shift_right_arithmetic3A_33 = arith.shrsi %squeeze3A_31, %shift_right_arithmetic3A_32 : i32
      %mul3A_34 = arith.constant 128 : i32
      %mul3A_35 = arith.muli %shift_right_arithmetic3A_33, %mul3A_34 : i32
      %multiple_of3A_36 = tpu.assume_multiple %mul3A_35, 128 : i32
      %dma_start3A_37 = arith.constant 0 : i32
      %dma_start3A_38 = tpu.memref_slice %arg3[%dma_start3A_37, %multiple_of3A_36] : memref<64x1000000xf32, #tpu.memory_space<hbm>> -> memref<64x128xf32, #tpu.memory_space<hbm>>
      %dma_start3A_39 = arith.constant 0 : i32
      %dma_start3A_40 = tpu.memref_slice %arg3[%dma_start3A_39, %multiple_of3A_36] : memref<64x1000000xf32, #tpu.memory_space<hbm>> -> memref<64x128xf32, #tpu.memory_space<hbm>>
      tpu.enqueue_dma source(%dma_start3A_40 : memref<64x128xf32, #tpu.memory_space<hbm>>) target(%arg10 : memref<64x128xf32, #tpu.memory_space<vmem>>) target_semaphore(%arg18 : memref<!tpu.dma_semaphore, #tpu.memory_space<semaphore_mem>>)
      %slice3A_41 = vector.extract_strided_slice %get3A_20 {offsets = [2], sizes = [1], strides = [1]} : vector<16xi32> to vector<1xi32>
      %squeeze3A_42 = vector.extract %slice3A_41[0] : i32 from vector<1xi32>
      %shift_right_arithmetic3A_43 = arith.constant 7 : i32
      %shift_right_arithmetic3A_44 = arith.shrsi %squeeze3A_42, %shift_right_arithmetic3A_43 : i32
      %mul3A_45 = arith.constant 128 : i32
      %mul3A_46 = arith.muli %shift_right_arithmetic3A_44, %mul3A_45 : i32
      %multiple_of3A_47 = tpu.assume_multiple %mul3A_46, 128 : i32
      %dma_start3A_48 = arith.constant 0 : i32
      %dma_start3A_49 = tpu.memref_slice %arg3[%dma_start3A_48, %multiple_of3A_47] : memref<64x1000000xf32, #tpu.memory_space<hbm>> -> memref<64x128xf32, #tpu.memory_space<hbm>>
      %dma_start3A_50 = arith.constant 0 : i32
      %dma_start3A_51 = tpu.memref_slice %arg3[%dma_start3A_50, %multiple_of3A_47] : memref<64x1000000xf32, #tpu.memory_space<hbm>> -> memref<64x128xf32, #tpu.memory_space<hbm>>
      tpu.enqueue_dma source(%dma_start3A_51 : memref<64x128xf32, #tpu.memory_space<hbm>>) target(%arg11 : memref<64x128xf32, #tpu.memory_space<vmem>>) target_semaphore(%arg18 : memref<!tpu.dma_semaphore, #tpu.memory_space<semaphore_mem>>)
      %slice3A_52 = vector.extract_strided_slice %get3A_20 {offsets = [3], sizes = [1], strides = [1]} : vector<16xi32> to vector<1xi32>
      %squeeze3A_53 = vector.extract %slice3A_52[0] : i32 from vector<1xi32>
      %shift_right_arithmetic3A_54 = arith.constant 7 : i32
      %shift_right_arithmetic3A_55 = arith.shrsi %squeeze3A_53, %shift_right_arithmetic3A_54 : i32
      %mul3A_56 = arith.constant 128 : i32
      %mul3A_57 = arith.muli %shift_right_arithmetic3A_55, %mul3A_56 : i32
      %multiple_of3A_58 = tpu.assume_multiple %mul3A_57, 128 : i32
      %dma_start3A_59 = arith.constant 0 : i32
      %dma_start3A_60 = tpu.memref_slice %arg3[%dma_start3A_59, %multiple_of3A_58] : memref<64x1000000xf32, #tpu.memory_space<hbm>> -> memref<64x128xf32, #tpu.memory_space<hbm>>
      %dma_start3A_61 = arith.constant 0 : i32
      %dma_start3A_62 = tpu.memref_slice %arg3[%dma_start3A_61, %multiple_of3A_58] : memref<64x1000000xf32, #tpu.memory_space<hbm>> -> memref<64x128xf32, #tpu.memory_space<hbm>>
      tpu.enqueue_dma source(%dma_start3A_62 : memref<64x128xf32, #tpu.memory_space<hbm>>) target(%arg12 : memref<64x128xf32, #tpu.memory_space<vmem>>) target_semaphore(%arg18 : memref<!tpu.dma_semaphore, #tpu.memory_space<semaphore_mem>>)
      %slice3A_63 = vector.extract_strided_slice %get3A_20 {offsets = [4], sizes = [1], strides = [1]} : vector<16xi32> to vector<1xi32>
      %squeeze3A_64 = vector.extract %slice3A_63[0] : i32 from vector<1xi32>
      %shift_right_arithmetic3A_65 = arith.constant 7 : i32
      %shift_right_arithmetic3A_66 = arith.shrsi %squeeze3A_64, %shift_right_arithmetic3A_65 : i32
      %mul3A_67 = arith.constant 128 : i32
      %mul3A_68 = arith.muli %shift_right_arithmetic3A_66, %mul3A_67 : i32
      %multiple_of3A_69 = tpu.assume_multiple %mul3A_68, 128 : i32
      %dma_start3A_70 = arith.constant 0 : i32
      %dma_start3A_71 = tpu.memref_slice %arg3[%dma_start3A_70, %multiple_of3A_69] : memref<64x1000000xf32, #tpu.memory_space<hbm>> -> memref<64x128xf32, #tpu.memory_space<hbm>>
      %dma_start3A_72 = arith.constant 0 : i32
      %dma_start3A_73 = tpu.memref_slice %arg3[%dma_start3A_72, %multiple_of3A_69] : memref<64x1000000xf32, #tpu.memory_space<hbm>> -> memref<64x128xf32, #tpu.memory_space<hbm>>
      tpu.enqueue_dma source(%dma_start3A_73 : memref<64x128xf32, #tpu.memory_space<hbm>>) target(%arg13 : memref<64x128xf32, #tpu.memory_space<vmem>>) target_semaphore(%arg18 : memref<!tpu.dma_semaphore, #tpu.memory_space<semaphore_mem>>)
      %slice3A_74 = vector.extract_strided_slice %get3A_20 {offsets = [5], sizes = [1], strides = [1]} : vector<16xi32> to vector<1xi32>
      %squeeze3A_75 = vector.extract %slice3A_74[0] : i32 from vector<1xi32>
      %shift_right_arithmetic3A_76 = arith.constant 7 : i32
      %shift_right_arithmetic3A_77 = arith.shrsi %squeeze3A_75, %shift_right_arithmetic3A_76 : i32
      %mul3A_78 = arith.constant 128 : i32
      %mul3A_79 = arith.muli %shift_right_arithmetic3A_77, %mul3A_78 : i32
      %multiple_of3A_80 = tpu.assume_multiple %mul3A_79, 128 : i32
      %dma_start3A_81 = arith.constant 0 : i32
      %dma_start3A_82 = tpu.memref_slice %arg3[%dma_start3A_81, %multiple_of3A_80] : memref<64x1000000xf32, #tpu.memory_space<hbm>> -> memref<64x128xf32, #tpu.memory_space<hbm>>
      %dma_start3A_83 = arith.constant 0 : i32
      %dma_start3A_84 = tpu.memref_slice %arg3[%dma_start3A_83, %multiple_of3A_80] : memref<64x1000000xf32, #tpu.memory_space<hbm>> -> memref<64x128xf32, #tpu.memory_space<hbm>>
      tpu.enqueue_dma source(%dma_start3A_84 : memref<64x128xf32, #tpu.memory_space<hbm>>) target(%arg14 : memref<64x128xf32, #tpu.memory_space<vmem>>) target_semaphore(%arg18 : memref<!tpu.dma_semaphore, #tpu.memory_space<semaphore_mem>>)
      %slice3A_85 = vector.extract_strided_slice %get3A_20 {offsets = [6], sizes = [1], strides = [1]} : vector<16xi32> to vector<1xi32>
      %squeeze3A_86 = vector.extract %slice3A_85[0] : i32 from vector<1xi32>
      %shift_right_arithmetic3A_87 = arith.constant 7 : i32
      %shift_right_arithmetic3A_88 = arith.shrsi %squeeze3A_86, %shift_right_arithmetic3A_87 : i32
      %mul3A_89 = arith.constant 128 : i32
      %mul3A_90 = arith.muli %shift_right_arithmetic3A_88, %mul3A_89 : i32
      %multiple_of3A_91 = tpu.assume_multiple %mul3A_90, 128 : i32
      %dma_start3A_92 = arith.constant 0 : i32
      %dma_start3A_93 = tpu.memref_slice %arg3[%dma_start3A_92, %multiple_of3A_91] : memref<64x1000000xf32, #tpu.memory_space<hbm>> -> memref<64x128xf32, #tpu.memory_space<hbm>>
      %dma_start3A_94 = arith.constant 0 : i32
      %dma_start3A_95 = tpu.memref_slice %arg3[%dma_start3A_94, %multiple_of3A_91] : memref<64x1000000xf32, #tpu.memory_space<hbm>> -> memref<64x128xf32, #tpu.memory_space<hbm>>
      tpu.enqueue_dma source(%dma_start3A_95 : memref<64x128xf32, #tpu.memory_space<hbm>>) target(%arg15 : memref<64x128xf32, #tpu.memory_space<vmem>>) target_semaphore(%arg18 : memref<!tpu.dma_semaphore, #tpu.memory_space<semaphore_mem>>)
      %slice3A_96 = vector.extract_strided_slice %get3A_20 {offsets = [7], sizes = [1], strides = [1]} : vector<16xi32> to vector<1xi32>
      %squeeze3A_97 = vector.extract %slice3A_96[0] : i32 from vector<1xi32>
      %shift_right_arithmetic3A_98 = arith.constant 7 : i32
      %shift_right_arithmetic3A_99 = arith.shrsi %squeeze3A_97, %shift_right_arithmetic3A_98 : i32
      %mul3A_100 = arith.constant 128 : i32
      %mul3A_101 = arith.muli %shift_right_arithmetic3A_99, %mul3A_100 : i32
      %multiple_of3A_102 = tpu.assume_multiple %mul3A_101, 128 : i32
      %dma_start3A_103 = arith.constant 0 : i32
      %dma_start3A_104 = tpu.memref_slice %arg3[%dma_start3A_103, %multiple_of3A_102] : memref<64x1000000xf32, #tpu.memory_space<hbm>> -> memref<64x128xf32, #tpu.memory_space<hbm>>
      %dma_start3A_105 = arith.constant 0 : i32
      %dma_start3A_106 = tpu.memref_slice %arg3[%dma_start3A_105, %multiple_of3A_102] : memref<64x1000000xf32, #tpu.memory_space<hbm>> -> memref<64x128xf32, #tpu.memory_space<hbm>>
      tpu.enqueue_dma source(%dma_start3A_106 : memref<64x128xf32, #tpu.memory_space<hbm>>) target(%arg16 : memref<64x128xf32, #tpu.memory_space<vmem>>) target_semaphore(%arg18 : memref<!tpu.dma_semaphore, #tpu.memory_space<semaphore_mem>>)
      %slice3A_107 = vector.extract_strided_slice %get3A_20 {offsets = [0], sizes = [1], strides = [1]} : vector<16xi32> to vector<1xi32>
      %squeeze3A_108 = vector.extract %slice3A_107[0] : i32 from vector<1xi32>
      %and3A = arith.constant 127 : i32
      %and3A_109 = arith.andi %squeeze3A_108, %and3A : i32
      %broadcast_in_dim3A = vector.broadcast %and3A_109 : i32 to vector<16xi32>
      %add3A_110 = arith.constant 0 : i32
      %add3A_111 = arith.addi %mul3A_22, %add3A_110 : i32
      %broadcast_in_dim3A_112 = vector.broadcast %add3A_111 : i32 to vector<16xi32>
      %add3A_113 = arith.constant 0 : i32
      %add3A_114 = arith.addi %mul3A_22, %add3A_113 : i32
      %sub3A_115 = arith.constant 255 : i32
      %sub3A_116 = arith.subi %sub3A_115, %add3A_114 : i32
      %broadcast_in_dim3A_117 = vector.broadcast %sub3A_116 : i32 to vector<16xi32>
      %dma_wait3A_118 = arith.constant 0 : i32
      %dma_wait3A_119 = tpu.memref_slice %arg3[%dma_wait3A_118, %multiple_of3A] : memref<64x1000000xf32, #tpu.memory_space<hbm>> -> memref<64x128xf32, #tpu.memory_space<hbm>>
      %dma_wait3A_120 = arith.constant 0 : i32
      %dma_wait3A_121 = tpu.memref_slice %arg3[%dma_wait3A_120, %multiple_of3A] : memref<64x1000000xf32, #tpu.memory_space<hbm>> -> memref<64x128xf32, #tpu.memory_space<hbm>>
      tpu.wait_dma2 semaphore(%arg18 : memref<!tpu.dma_semaphore, #tpu.memory_space<semaphore_mem>>) src(%dma_wait3A_121 : memref<64x128xf32, #tpu.memory_space<hbm>>) dst(%arg9 : memref<64x128xf32, #tpu.memory_space<vmem>>)
      %add3A_122 = arith.constant 0 : i32
      %add3A_123 = vector.broadcast %add3A_122 : i32 to vector<16xi32>
      %add3A_124 = arith.addi %iota3A, %add3A_123 : vector<16xi32>
      %gather3A = tpu.vector_load_idx %arg9[%add3A_124, %broadcast_in_dim3A] : memref<64x128xf32, #tpu.memory_space<vmem>>[vector<16xi32>, vector<16xi32>], vector<16xf32>,
      %gather3A_125 = tpu.vector_load_idx %arg7[%add3A_124, %broadcast_in_dim3A_117] : memref<64x256xf32, #tpu.memory_space<vmem>>[vector<16xi32>, vector<16xi32>], vector<16xf32>,
      %add3A_126 = arith.addf %gather3A, %gather3A_125 : vector<16xf32>
      tpu.vector_store_idx %arg8[%add3A_124, %broadcast_in_dim3A_112], %add3A_126 : memref<64x256xf32, #tpu.memory_space<vmem>>[vector<16xi32>, vector<16xi32>], vector<16xf32>,
      %add3A_127 = arith.constant 16 : i32
      %add3A_128 = vector.broadcast %add3A_127 : i32 to vector<16xi32>
      %add3A_129 = arith.addi %iota3A, %add3A_128 : vector<16xi32>
      %gather3A_130 = tpu.vector_load_idx %arg9[%add3A_129, %broadcast_in_dim3A] : memref<64x128xf32, #tpu.memory_space<vmem>>[vector<16xi32>, vector<16xi32>], vector<16xf32>,
      %gather3A_131 = tpu.vector_load_idx %arg7[%add3A_129, %broadcast_in_dim3A_117] : memref<64x256xf32, #tpu.memory_space<vmem>>[vector<16xi32>, vector<16xi32>], vector<16xf32>,
      %add3A_132 = arith.addf %gather3A_130, %gather3A_131 : vector<16xf32>
      tpu.vector_store_idx %arg8[%add3A_129, %broadcast_in_dim3A_112], %add3A_132 : memref<64x256xf32, #tpu.memory_space<vmem>>[vector<16xi32>, vector<16xi32>], vector<16xf32>,
      %add3A_133 = arith.constant 32 : i32
      %add3A_134 = vector.broadcast %add3A_133 : i32 to vector<16xi32>
      %add3A_135 = arith.addi %iota3A, %add3A_134 : vector<16xi32>
      %gather3A_136 = tpu.vector_load_idx %arg9[%add3A_135, %broadcast_in_dim3A] : memref<64x128xf32, #tpu.memory_space<vmem>>[vector<16xi32>, vector<16xi32>], vector<16xf32>,
      %gather3A_137 = tpu.vector_load_idx %arg7[%add3A_135, %broadcast_in_dim3A_117] : memref<64x256xf32, #tpu.memory_space<vmem>>[vector<16xi32>, vector<16xi32>], vector<16xf32>,
      %add3A_138 = arith.addf %gather3A_136, %gather3A_137 : vector<16xf32>
      tpu.vector_store_idx %arg8[%add3A_135, %broadcast_in_dim3A_112], %add3A_138 : memref<64x256xf32, #tpu.memory_space<vmem>>[vector<16xi32>, vector<16xi32>], vector<16xf32>,
      %add3A_139 = arith.constant 48 : i32
      %add3A_140 = vector.broadcast %add3A_139 : i32 to vector<16xi32>
      %add3A_141 = arith.addi %iota3A, %add3A_140 : vector<16xi32>
      %gather3A_142 = tpu.vector_load_idx %arg9[%add3A_141, %broadcast_in_dim3A] : memref<64x128xf32, #tpu.memory_space<vmem>>[vector<16xi32>, vector<16xi32>], vector<16xf32>,
      %gather3A_143 = tpu.vector_load_idx %arg7[%add3A_141, %broadcast_in_dim3A_117] : memref<64x256xf32, #tpu.memory_space<vmem>>[vector<16xi32>, vector<16xi32>], vector<16xf32>,
      %add3A_144 = arith.addf %gather3A_142, %gather3A_143 : vector<16xf32>
      tpu.vector_store_idx %arg8[%add3A_141, %broadcast_in_dim3A_112], %add3A_144 : memref<64x256xf32, #tpu.memory_space<vmem>>[vector<16xi32>, vector<16xi32>], vector<16xf32>,
      %slice3A_145 = vector.extract_strided_slice %get3A_20 {offsets = [8], sizes = [1], strides = [1]} : vector<16xi32> to vector<1xi32>
      %squeeze3A_146 = vector.extract %slice3A_145[0] : i32 from vector<1xi32>
      %shift_right_arithmetic3A_147 = arith.constant 7 : i32
      %shift_right_arithmetic3A_148 = arith.shrsi %squeeze3A_146, %shift_right_arithmetic3A_147 : i32
      %mul3A_149 = arith.constant 128 : i32
      %mul3A_150 = arith.muli %shift_right_arithmetic3A_148, %mul3A_149 : i32
      %multiple_of3A_151 = tpu.assume_multiple %mul3A_150, 128 : i32
      %dma_start3A_152 = arith.constant 0 : i32
      %dma_start3A_153 = tpu.memref_slice %arg3[%dma_start3A_152, %multiple_of3A_151] : memref<64x1000000xf32, #tpu.memory_space<hbm>> -> memref<64x128xf32, #tpu.memory_space<hbm>>
      %dma_start3A_154 = arith.constant 0 : i32
      %dma_start3A_155 = tpu.memref_slice %arg3[%dma_start3A_154, %multiple_of3A_151] : memref<64x1000000xf32, #tpu.memory_space<hbm>> -> memref<64x128xf32, #tpu.memory_space<hbm>>
      tpu.enqueue_dma source(%dma_start3A_155 : memref<64x128xf32, #tpu.memory_space<hbm>>) target(%arg9 : memref<64x128xf32, #tpu.memory_space<vmem>>) target_semaphore(%arg18 : memref<!tpu.dma_semaphore, #tpu.memory_space<semaphore_mem>>)
      %slice3A_156 = vector.extract_strided_slice %get3A_20 {offsets = [1], sizes = [1], strides = [1]} : vector<16xi32> to vector<1xi32>
      %squeeze3A_157 = vector.extract %slice3A_156[0] : i32 from vector<1xi32>
      %and3A_158 = arith.constant 127 : i32
      %and3A_159 = arith.andi %squeeze3A_157, %and3A_158 : i32
      %broadcast_in_dim3A_160 = vector.broadcast %and3A_159 : i32 to vector<16xi32>
      %add3A_161 = arith.constant 1 : i32
      %add3A_162 = arith.addi %mul3A_22, %add3A_161 : i32
      %broadcast_in_dim3A_163 = vector.broadcast %add3A_162 : i32 to vector<16xi32>
      %add3A_164 = arith.constant 1 : i32
      %add3A_165 = arith.addi %mul3A_22, %add3A_164 : i32
      %sub3A_166 = arith.constant 255 : i32
      %sub3A_167 = arith.subi %sub3A_166, %add3A_165 : i32
      %broadcast_in_dim3A_168 = vector.broadcast %sub3A_167 : i32 to vector<16xi32>
      %dma_wait3A_169 = arith.constant 0 : i32
      %dma_wait3A_170 = tpu.memref_slice %arg3[%dma_wait3A_169, %multiple_of3A_36] : memref<64x1000000xf32, #tpu.memory_space<hbm>> -> memref<64x128xf32, #tpu.memory_space<hbm>>
      %dma_wait3A_171 = arith.constant 0 : i32
      %dma_wait3A_172 = tpu.memref_slice %arg3[%dma_wait3A_171, %multiple_of3A_36] : memref<64x1000000xf32, #tpu.memory_space<hbm>> -> memref<64x128xf32, #tpu.memory_space<hbm>>
      tpu.wait_dma2 semaphore(%arg18 : memref<!tpu.dma_semaphore, #tpu.memory_space<semaphore_mem>>) src(%dma_wait3A_172 : memref<64x128xf32, #tpu.memory_space<hbm>>) dst(%arg10 : memref<64x128xf32, #tpu.memory_space<vmem>>)
      %add3A_173 = arith.constant 0 : i32
      %add3A_174 = vector.broadcast %add3A_173 : i32 to vector<16xi32>
      %add3A_175 = arith.addi %iota3A, %add3A_174 : vector<16xi32>
      %gather3A_176 = tpu.vector_load_idx %arg10[%add3A_175, %broadcast_in_dim3A_160] : memref<64x128xf32, #tpu.memory_space<vmem>>[vector<16xi32>, vector<16xi32>], vector<16xf32>,
      %gather3A_177 = tpu.vector_load_idx %arg7[%add3A_175, %broadcast_in_dim3A_168] : memref<64x256xf32, #tpu.memory_space<vmem>>[vector<16xi32>, vector<16xi32>], vector<16xf32>,
      %add3A_178 = arith.addf %gather3A_176, %gather3A_177 : vector<16xf32>
      tpu.vector_store_idx %arg8[%add3A_175, %broadcast_in_dim3A_163], %add3A_178 : memref<64x256xf32, #tpu.memory_space<vmem>>[vector<16xi32>, vector<16xi32>], vector<16xf32>,
      %add3A_179 = arith.constant 16 : i32
      %add3A_180 = vector.broadcast %add3A_179 : i32 to vector<16xi32>
      %add3A_181 = arith.addi %iota3A, %add3A_180 : vector<16xi32>
      %gather3A_182 = tpu.vector_load_idx %arg10[%add3A_181, %broadcast_in_dim3A_160] : memref<64x128xf32, #tpu.memory_space<vmem>>[vector<16xi32>, vector<16xi32>], vector<16xf32>,
      %gather3A_183 = tpu.vector_load_idx %arg7[%add3A_181, %broadcast_in_dim3A_168] : memref<64x256xf32, #tpu.memory_space<vmem>>[vector<16xi32>, vector<16xi32>], vector<16xf32>,
      %add3A_184 = arith.addf %gather3A_182, %gather3A_183 : vector<16xf32>
      tpu.vector_store_idx %arg8[%add3A_181, %broadcast_in_dim3A_163], %add3A_184 : memref<64x256xf32, #tpu.memory_space<vmem>>[vector<16xi32>, vector<16xi32>], vector<16xf32>,
      %add3A_185 = arith.constant 32 : i32
      %add3A_186 = vector.broadcast %add3A_185 : i32 to vector<16xi32>
      %add3A_187 = arith.addi %iota3A, %add3A_186 : vector<16xi32>
      %gather3A_188 = tpu.vector_load_idx %arg10[%add3A_187, %broadcast_in_dim3A_160] : memref<64x128xf32, #tpu.memory_space<vmem>>[vector<16xi32>, vector<16xi32>], vector<16xf32>,
      %gather3A_189 = tpu.vector_load_idx %arg7[%add3A_187, %broadcast_in_dim3A_168] : memref<64x256xf32, #tpu.memory_space<vmem>>[vector<16xi32>, vector<16xi32>], vector<16xf32>,
      %add3A_190 = arith.addf %gather3A_188, %gather3A_189 : vector<16xf32>
      tpu.vector_store_idx %arg8[%add3A_187, %broadcast_in_dim3A_163], %add3A_190 : memref<64x256xf32, #tpu.memory_space<vmem>>[vector<16xi32>, vector<16xi32>], vector<16xf32>,
      %add3A_191 = arith.constant 48 : i32
      %add3A_192 = vector.broadcast %add3A_191 : i32 to vector<16xi32>
      %add3A_193 = arith.addi %iota3A, %add3A_192 : vector<16xi32>
      %gather3A_194 = tpu.vector_load_idx %arg10[%add3A_193, %broadcast_in_dim3A_160] : memref<64x128xf32, #tpu.memory_space<vmem>>[vector<16xi32>, vector<16xi32>], vector<16xf32>,
      %gather3A_195 = tpu.vector_load_idx %arg7[%add3A_193, %broadcast_in_dim3A_168] : memref<64x256xf32, #tpu.memory_space<vmem>>[vector<16xi32>, vector<16xi32>], vector<16xf32>,
      %add3A_196 = arith.addf %gather3A_194, %gather3A_195 : vector<16xf32>
      tpu.vector_store_idx %arg8[%add3A_193, %broadcast_in_dim3A_163], %add3A_196 : memref<64x256xf32, #tpu.memory_space<vmem>>[vector<16xi32>, vector<16xi32>], vector<16xf32>,
      %slice3A_197 = vector.extract_strided_slice %get3A_20 {offsets = [9], sizes = [1], strides = [1]} : vector<16xi32> to vector<1xi32>
      %squeeze3A_198 = vector.extract %slice3A_197[0] : i32 from vector<1xi32>
      %shift_right_arithmetic3A_199 = arith.constant 7 : i32
      %shift_right_arithmetic3A_200 = arith.shrsi %squeeze3A_198, %shift_right_arithmetic3A_199 : i32
      %mul3A_201 = arith.constant 128 : i32
      %mul3A_202 = arith.muli %shift_right_arithmetic3A_200, %mul3A_201 : i32
      %multiple_of3A_203 = tpu.assume_multiple %mul3A_202, 128 : i32
      %dma_start3A_204 = arith.constant 0 : i32
      %dma_start3A_205 = tpu.memref_slice %arg3[%dma_start3A_204, %multiple_of3A_203] : memref<64x1000000xf32, #tpu.memory_space<hbm>> -> memref<64x128xf32, #tpu.memory_space<hbm>>
      %dma_start3A_206 = arith.constant 0 : i32
      %dma_start3A_207 = tpu.memref_slice %arg3[%dma_start3A_206, %multiple_of3A_203] : memref<64x1000000xf32, #tpu.memory_space<hbm>> -> memref<64x128xf32, #tpu.memory_space<hbm>>
      tpu.enqueue_dma source(%dma_start3A_207 : memref<64x128xf32, #tpu.memory_space<hbm>>) target(%arg10 : memref<64x128xf32, #tpu.memory_space<vmem>>) target_semaphore(%arg18 : memref<!tpu.dma_semaphore, #tpu.memory_space<semaphore_mem>>)
      %slice3A_208 = vector.extract_strided_slice %get3A_20 {offsets = [2], sizes = [1], strides = [1]} : vector<16xi32> to vector<1xi32>
      %squeeze3A_209 = vector.extract %slice3A_208[0] : i32 from vector<1xi32>
      %and3A_210 = arith.constant 127 : i32
      %and3A_211 = arith.andi %squeeze3A_209, %and3A_210 : i32
      %broadcast_in_dim3A_212 = vector.broadcast %and3A_211 : i32 to vector<16xi32>
      %add3A_213 = arith.constant 2 : i32
      %add3A_214 = arith.addi %mul3A_22, %add3A_213 : i32
      %broadcast_in_dim3A_215 = vector.broadcast %add3A_214 : i32 to vector<16xi32>
      %add3A_216 = arith.constant 2 : i32
      %add3A_217 = arith.addi %mul3A_22, %add3A_216 : i32
      %sub3A_218 = arith.constant 255 : i32
      %sub3A_219 = arith.subi %sub3A_218, %add3A_217 : i32
      %broadcast_in_dim3A_220 = vector.broadcast %sub3A_219 : i32 to vector<16xi32>
      %dma_wait3A_221 = arith.constant 0 : i32
      %dma_wait3A_222 = tpu.memref_slice %arg3[%dma_wait3A_221, %multiple_of3A_47] : memref<64x1000000xf32, #tpu.memory_space<hbm>> -> memref<64x128xf32, #tpu.memory_space<hbm>>
      %dma_wait3A_223 = arith.constant 0 : i32
      %dma_wait3A_224 = tpu.memref_slice %arg3[%dma_wait3A_223, %multiple_of3A_47] : memref<64x1000000xf32, #tpu.memory_space<hbm>> -> memref<64x128xf32, #tpu.memory_space<hbm>>
      tpu.wait_dma2 semaphore(%arg18 : memref<!tpu.dma_semaphore, #tpu.memory_space<semaphore_mem>>) src(%dma_wait3A_224 : memref<64x128xf32, #tpu.memory_space<hbm>>) dst(%arg11 : memref<64x128xf32, #tpu.memory_space<vmem>>)
      %add3A_225 = arith.constant 0 : i32
      %add3A_226 = vector.broadcast %add3A_225 : i32 to vector<16xi32>
      %add3A_227 = arith.addi %iota3A, %add3A_226 : vector<16xi32>
      %gather3A_228 = tpu.vector_load_idx %arg11[%add3A_227, %broadcast_in_dim3A_212] : memref<64x128xf32, #tpu.memory_space<vmem>>[vector<16xi32>, vector<16xi32>], vector<16xf32>,
      %gather3A_229 = tpu.vector_load_idx %arg7[%add3A_227, %broadcast_in_dim3A_220] : memref<64x256xf32, #tpu.memory_space<vmem>>[vector<16xi32>, vector<16xi32>], vector<16xf32>,
      %add3A_230 = arith.addf %gather3A_228, %gather3A_229 : vector<16xf32>
      tpu.vector_store_idx %arg8[%add3A_227, %broadcast_in_dim3A_215], %add3A_230 : memref<64x256xf32, #tpu.memory_space<vmem>>[vector<16xi32>, vector<16xi32>], vector<16xf32>,
      %add3A_231 = arith.constant 16 : i32
      %add3A_232 = vector.broadcast %add3A_231 : i32 to vector<16xi32>
      %add3A_233 = arith.addi %iota3A, %add3A_232 : vector<16xi32>
      %gather3A_234 = tpu.vector_load_idx %arg11[%add3A_233, %broadcast_in_dim3A_212] : memref<64x128xf32, #tpu.memory_space<vmem>>[vector<16xi32>, vector<16xi32>], vector<16xf32>,
      %gather3A_235 = tpu.vector_load_idx %arg7[%add3A_233, %broadcast_in_dim3A_220] : memref<64x256xf32, #tpu.memory_space<vmem>>[vector<16xi32>, vector<16xi32>], vector<16xf32>,
      %add3A_236 = arith.addf %gather3A_234, %gather3A_235 : vector<16xf32>
      tpu.vector_store_idx %arg8[%add3A_233, %broadcast_in_dim3A_215], %add3A_236 : memref<64x256xf32, #tpu.memory_space<vmem>>[vector<16xi32>, vector<16xi32>], vector<16xf32>,
      %add3A_237 = arith.constant 32 : i32
      %add3A_238 = vector.broadcast %add3A_237 : i32 to vector<16xi32>
      %add3A_239 = arith.addi %iota3A, %add3A_238 : vector<16xi32>
      %gather3A_240 = tpu.vector_load_idx %arg11[%add3A_239, %broadcast_in_dim3A_212] : memref<64x128xf32, #tpu.memory_space<vmem>>[vector<16xi32>, vector<16xi32>], vector<16xf32>,
      %gather3A_241 = tpu.vector_load_idx %arg7[%add3A_239, %broadcast_in_dim3A_220] : memref<64x256xf32, #tpu.memory_space<vmem>>[vector<16xi32>, vector<16xi32>], vector<16xf32>,
      %add3A_242 = arith.addf %gather3A_240, %gather3A_241 : vector<16xf32>
      tpu.vector_store_idx %arg8[%add3A_239, %broadcast_in_dim3A_215], %add3A_242 : memref<64x256xf32, #tpu.memory_space<vmem>>[vector<16xi32>, vector<16xi32>], vector<16xf32>,
      %add3A_243 = arith.constant 48 : i32
      %add3A_244 = vector.broadcast %add3A_243 : i32 to vector<16xi32>
      %add3A_245 = arith.addi %iota3A, %add3A_244 : vector<16xi32>
      %gather3A_246 = tpu.vector_load_idx %arg11[%add3A_245, %broadcast_in_dim3A_212] : memref<64x128xf32, #tpu.memory_space<vmem>>[vector<16xi32>, vector<16xi32>], vector<16xf32>,
      %gather3A_247 = tpu.vector_load_idx %arg7[%add3A_245, %broadcast_in_dim3A_220] : memref<64x256xf32, #tpu.memory_space<vmem>>[vector<16xi32>, vector<16xi32>], vector<16xf32>,
      %add3A_248 = arith.addf %gather3A_246, %gather3A_247 : vector<16xf32>
      tpu.vector_store_idx %arg8[%add3A_245, %broadcast_in_dim3A_215], %add3A_248 : memref<64x256xf32, #tpu.memory_space<vmem>>[vector<16xi32>, vector<16xi32>], vector<16xf32>,
      %slice3A_249 = vector.extract_strided_slice %get3A_20 {offsets = [10], sizes = [1], strides = [1]} : vector<16xi32> to vector<1xi32>
      %squeeze3A_250 = vector.extract %slice3A_249[0] : i32 from vector<1xi32>
      %shift_right_arithmetic3A_251 = arith.constant 7 : i32
      %shift_right_arithmetic3A_252 = arith.shrsi %squeeze3A_250, %shift_right_arithmetic3A_251 : i32
      %mul3A_253 = arith.constant 128 : i32
      %mul3A_254 = arith.muli %shift_right_arithmetic3A_252, %mul3A_253 : i32
      %multiple_of3A_255 = tpu.assume_multiple %mul3A_254, 128 : i32
      %dma_start3A_256 = arith.constant 0 : i32
      %dma_start3A_257 = tpu.memref_slice %arg3[%dma_start3A_256, %multiple_of3A_255] : memref<64x1000000xf32, #tpu.memory_space<hbm>> -> memref<64x128xf32, #tpu.memory_space<hbm>>
      %dma_start3A_258 = arith.constant 0 : i32
      %dma_start3A_259 = tpu.memref_slice %arg3[%dma_start3A_258, %multiple_of3A_255] : memref<64x1000000xf32, #tpu.memory_space<hbm>> -> memref<64x128xf32, #tpu.memory_space<hbm>>
      tpu.enqueue_dma source(%dma_start3A_259 : memref<64x128xf32, #tpu.memory_space<hbm>>) target(%arg11 : memref<64x128xf32, #tpu.memory_space<vmem>>) target_semaphore(%arg18 : memref<!tpu.dma_semaphore, #tpu.memory_space<semaphore_mem>>)
      %slice3A_260 = vector.extract_strided_slice %get3A_20 {offsets = [3], sizes = [1], strides = [1]} : vector<16xi32> to vector<1xi32>
      %squeeze3A_261 = vector.extract %slice3A_260[0] : i32 from vector<1xi32>
      %and3A_262 = arith.constant 127 : i32
      %and3A_263 = arith.andi %squeeze3A_261, %and3A_262 : i32
      %broadcast_in_dim3A_264 = vector.broadcast %and3A_263 : i32 to vector<16xi32>
      %add3A_265 = arith.constant 3 : i32
      %add3A_266 = arith.addi %mul3A_22, %add3A_265 : i32
      %broadcast_in_dim3A_267 = vector.broadcast %add3A_266 : i32 to vector<16xi32>
      %add3A_268 = arith.constant 3 : i32
      %add3A_269 = arith.addi %mul3A_22, %add3A_268 : i32
      %sub3A_270 = arith.constant 255 : i32
      %sub3A_271 = arith.subi %sub3A_270, %add3A_269 : i32
      %broadcast_in_dim3A_272 = vector.broadcast %sub3A_271 : i32 to vector<16xi32>
      %dma_wait3A_273 = arith.constant 0 : i32
      %dma_wait3A_274 = tpu.memref_slice %arg3[%dma_wait3A_273, %multiple_of3A_58] : memref<64x1000000xf32, #tpu.memory_space<hbm>> -> memref<64x128xf32, #tpu.memory_space<hbm>>
      %dma_wait3A_275 = arith.constant 0 : i32
      %dma_wait3A_276 = tpu.memref_slice %arg3[%dma_wait3A_275, %multiple_of3A_58] : memref<64x1000000xf32, #tpu.memory_space<hbm>> -> memref<64x128xf32, #tpu.memory_space<hbm>>
      tpu.wait_dma2 semaphore(%arg18 : memref<!tpu.dma_semaphore, #tpu.memory_space<semaphore_mem>>) src(%dma_wait3A_276 : memref<64x128xf32, #tpu.memory_space<hbm>>) dst(%arg12 : memref<64x128xf32, #tpu.memory_space<vmem>>)
      %add3A_277 = arith.constant 0 : i32
      %add3A_278 = vector.broadcast %add3A_277 : i32 to vector<16xi32>
      %add3A_279 = arith.addi %iota3A, %add3A_278 : vector<16xi32>
      %gather3A_280 = tpu.vector_load_idx %arg12[%add3A_279, %broadcast_in_dim3A_264] : memref<64x128xf32, #tpu.memory_space<vmem>>[vector<16xi32>, vector<16xi32>], vector<16xf32>,
      %gather3A_281 = tpu.vector_load_idx %arg7[%add3A_279, %broadcast_in_dim3A_272] : memref<64x256xf32, #tpu.memory_space<vmem>>[vector<16xi32>, vector<16xi32>], vector<16xf32>,
      %add3A_282 = arith.addf %gather3A_280, %gather3A_281 : vector<16xf32>
      tpu.vector_store_idx %arg8[%add3A_279, %broadcast_in_dim3A_267], %add3A_282 : memref<64x256xf32, #tpu.memory_space<vmem>>[vector<16xi32>, vector<16xi32>], vector<16xf32>,
      %add3A_283 = arith.constant 16 : i32
      %add3A_284 = vector.broadcast %add3A_283 : i32 to vector<16xi32>
      %add3A_285 = arith.addi %iota3A, %add3A_284 : vector<16xi32>
      %gather3A_286 = tpu.vector_load_idx %arg12[%add3A_285, %broadcast_in_dim3A_264] : memref<64x128xf32, #tpu.memory_space<vmem>>[vector<16xi32>, vector<16xi32>], vector<16xf32>,
      %gather3A_287 = tpu.vector_load_idx %arg7[%add3A_285, %broadcast_in_dim3A_272] : memref<64x256xf32, #tpu.memory_space<vmem>>[vector<16xi32>, vector<16xi32>], vector<16xf32>,
      %add3A_288 = arith.addf %gather3A_286, %gather3A_287 : vector<16xf32>
      tpu.vector_store_idx %arg8[%add3A_285, %broadcast_in_dim3A_267], %add3A_288 : memref<64x256xf32, #tpu.memory_space<vmem>>[vector<16xi32>, vector<16xi32>], vector<16xf32>,
      %add3A_289 = arith.constant 32 : i32
      %add3A_290 = vector.broadcast %add3A_289 : i32 to vector<16xi32>
      %add3A_291 = arith.addi %iota3A, %add3A_290 : vector<16xi32>
      %gather3A_292 = tpu.vector_load_idx %arg12[%add3A_291, %broadcast_in_dim3A_264] : memref<64x128xf32, #tpu.memory_space<vmem>>[vector<16xi32>, vector<16xi32>], vector<16xf32>,
      %gather3A_293 = tpu.vector_load_idx %arg7[%add3A_291, %broadcast_in_dim3A_272] : memref<64x256xf32, #tpu.memory_space<vmem>>[vector<16xi32>, vector<16xi32>], vector<16xf32>,
      %add3A_294 = arith.addf %gather3A_292, %gather3A_293 : vector<16xf32>
      tpu.vector_store_idx %arg8[%add3A_291, %broadcast_in_dim3A_267], %add3A_294 : memref<64x256xf32, #tpu.memory_space<vmem>>[vector<16xi32>, vector<16xi32>], vector<16xf32>,
      %add3A_295 = arith.constant 48 : i32
      %add3A_296 = vector.broadcast %add3A_295 : i32 to vector<16xi32>
      %add3A_297 = arith.addi %iota3A, %add3A_296 : vector<16xi32>
      %gather3A_298 = tpu.vector_load_idx %arg12[%add3A_297, %broadcast_in_dim3A_264] : memref<64x128xf32, #tpu.memory_space<vmem>>[vector<16xi32>, vector<16xi32>], vector<16xf32>,
      %gather3A_299 = tpu.vector_load_idx %arg7[%add3A_297, %broadcast_in_dim3A_272] : memref<64x256xf32, #tpu.memory_space<vmem>>[vector<16xi32>, vector<16xi32>], vector<16xf32>,
      %add3A_300 = arith.addf %gather3A_298, %gather3A_299 : vector<16xf32>
      tpu.vector_store_idx %arg8[%add3A_297, %broadcast_in_dim3A_267], %add3A_300 : memref<64x256xf32, #tpu.memory_space<vmem>>[vector<16xi32>, vector<16xi32>], vector<16xf32>,
      %slice3A_301 = vector.extract_strided_slice %get3A_20 {offsets = [11], sizes = [1], strides = [1]} : vector<16xi32> to vector<1xi32>
      %squeeze3A_302 = vector.extract %slice3A_301[0] : i32 from vector<1xi32>
      %shift_right_arithmetic3A_303 = arith.constant 7 : i32
      %shift_right_arithmetic3A_304 = arith.shrsi %squeeze3A_302, %shift_right_arithmetic3A_303 : i32
      %mul3A_305 = arith.constant 128 : i32
      %mul3A_306 = arith.muli %shift_right_arithmetic3A_304, %mul3A_305 : i32
      %multiple_of3A_307 = tpu.assume_multiple %mul3A_306, 128 : i32
      %dma_start3A_308 = arith.constant 0 : i32
      %dma_start3A_309 = tpu.memref_slice %arg3[%dma_start3A_308, %multiple_of3A_307] : memref<64x1000000xf32, #tpu.memory_space<hbm>> -> memref<64x128xf32, #tpu.memory_space<hbm>>
      %dma_start3A_310 = arith.constant 0 : i32
      %dma_start3A_311 = tpu.memref_slice %arg3[%dma_start3A_310, %multiple_of3A_307] : memref<64x1000000xf32, #tpu.memory_space<hbm>> -> memref<64x128xf32, #tpu.memory_space<hbm>>
      tpu.enqueue_dma source(%dma_start3A_311 : memref<64x128xf32, #tpu.memory_space<hbm>>) target(%arg12 : memref<64x128xf32, #tpu.memory_space<vmem>>) target_semaphore(%arg18 : memref<!tpu.dma_semaphore, #tpu.memory_space<semaphore_mem>>)
      %slice3A_312 = vector.extract_strided_slice %get3A_20 {offsets = [4], sizes = [1], strides = [1]} : vector<16xi32> to vector<1xi32>
      %squeeze3A_313 = vector.extract %slice3A_312[0] : i32 from vector<1xi32>
      %and3A_314 = arith.constant 127 : i32
      %and3A_315 = arith.andi %squeeze3A_313, %and3A_314 : i32
      %broadcast_in_dim3A_316 = vector.broadcast %and3A_315 : i32 to vector<16xi32>
      %add3A_317 = arith.constant 4 : i32
      %add3A_318 = arith.addi %mul3A_22, %add3A_317 : i32
      %broadcast_in_dim3A_319 = vector.broadcast %add3A_318 : i32 to vector<16xi32>
      %add3A_320 = arith.constant 4 : i32
      %add3A_321 = arith.addi %mul3A_22, %add3A_320 : i32
      %sub3A_322 = arith.constant 255 : i32
      %sub3A_323 = arith.subi %sub3A_322, %add3A_321 : i32
      %broadcast_in_dim3A_324 = vector.broadcast %sub3A_323 : i32 to vector<16xi32>
      %dma_wait3A_325 = arith.constant 0 : i32
      %dma_wait3A_326 = tpu.memref_slice %arg3[%dma_wait3A_325, %multiple_of3A_69] : memref<64x1000000xf32, #tpu.memory_space<hbm>> -> memref<64x128xf32, #tpu.memory_space<hbm>>
      %dma_wait3A_327 = arith.constant 0 : i32
      %dma_wait3A_328 = tpu.memref_slice %arg3[%dma_wait3A_327, %multiple_of3A_69] : memref<64x1000000xf32, #tpu.memory_space<hbm>> -> memref<64x128xf32, #tpu.memory_space<hbm>>
      tpu.wait_dma2 semaphore(%arg18 : memref<!tpu.dma_semaphore, #tpu.memory_space<semaphore_mem>>) src(%dma_wait3A_328 : memref<64x128xf32, #tpu.memory_space<hbm>>) dst(%arg13 : memref<64x128xf32, #tpu.memory_space<vmem>>)
      %add3A_329 = arith.constant 0 : i32
      %add3A_330 = vector.broadcast %add3A_329 : i32 to vector<16xi32>
      %add3A_331 = arith.addi %iota3A, %add3A_330 : vector<16xi32>
      %gather3A_332 = tpu.vector_load_idx %arg13[%add3A_331, %broadcast_in_dim3A_316] : memref<64x128xf32, #tpu.memory_space<vmem>>[vector<16xi32>, vector<16xi32>], vector<16xf32>,
      %gather3A_333 = tpu.vector_load_idx %arg7[%add3A_331, %broadcast_in_dim3A_324] : memref<64x256xf32, #tpu.memory_space<vmem>>[vector<16xi32>, vector<16xi32>], vector<16xf32>,
      %add3A_334 = arith.addf %gather3A_332, %gather3A_333 : vector<16xf32>
      tpu.vector_store_idx %arg8[%add3A_331, %broadcast_in_dim3A_319], %add3A_334 : memref<64x256xf32, #tpu.memory_space<vmem>>[vector<16xi32>, vector<16xi32>], vector<16xf32>,
      %add3A_335 = arith.constant 16 : i32
      %add3A_336 = vector.broadcast %add3A_335 : i32 to vector<16xi32>
      %add3A_337 = arith.addi %iota3A, %add3A_336 : vector<16xi32>
      %gather3A_338 = tpu.vector_load_idx %arg13[%add3A_337, %broadcast_in_dim3A_316] : memref<64x128xf32, #tpu.memory_space<vmem>>[vector<16xi32>, vector<16xi32>], vector<16xf32>,
      %gather3A_339 = tpu.vector_load_idx %arg7[%add3A_337, %broadcast_in_dim3A_324] : memref<64x256xf32, #tpu.memory_space<vmem>>[vector<16xi32>, vector<16xi32>], vector<16xf32>,
      %add3A_340 = arith.addf %gather3A_338, %gather3A_339 : vector<16xf32>
      tpu.vector_store_idx %arg8[%add3A_337, %broadcast_in_dim3A_319], %add3A_340 : memref<64x256xf32, #tpu.memory_space<vmem>>[vector<16xi32>, vector<16xi32>], vector<16xf32>,
      %add3A_341 = arith.constant 32 : i32
      %add3A_342 = vector.broadcast %add3A_341 : i32 to vector<16xi32>
      %add3A_343 = arith.addi %iota3A, %add3A_342 : vector<16xi32>
      %gather3A_344 = tpu.vector_load_idx %arg13[%add3A_343, %broadcast_in_dim3A_316] : memref<64x128xf32, #tpu.memory_space<vmem>>[vector<16xi32>, vector<16xi32>], vector<16xf32>,
      %gather3A_345 = tpu.vector_load_idx %arg7[%add3A_343, %broadcast_in_dim3A_324] : memref<64x256xf32, #tpu.memory_space<vmem>>[vector<16xi32>, vector<16xi32>], vector<16xf32>,
      %add3A_346 = arith.addf %gather3A_344, %gather3A_345 : vector<16xf32>
      tpu.vector_store_idx %arg8[%add3A_343, %broadcast_in_dim3A_319], %add3A_346 : memref<64x256xf32, #tpu.memory_space<vmem>>[vector<16xi32>, vector<16xi32>], vector<16xf32>,
      %add3A_347 = arith.constant 48 : i32
      %add3A_348 = vector.broadcast %add3A_347 : i32 to vector<16xi32>
      %add3A_349 = arith.addi %iota3A, %add3A_348 : vector<16xi32>
      %gather3A_350 = tpu.vector_load_idx %arg13[%add3A_349, %broadcast_in_dim3A_316] : memref<64x128xf32, #tpu.memory_space<vmem>>[vector<16xi32>, vector<16xi32>], vector<16xf32>,
      %gather3A_351 = tpu.vector_load_idx %arg7[%add3A_349, %broadcast_in_dim3A_324] : memref<64x256xf32, #tpu.memory_space<vmem>>[vector<16xi32>, vector<16xi32>], vector<16xf32>,
      %add3A_352 = arith.addf %gather3A_350, %gather3A_351 : vector<16xf32>
      tpu.vector_store_idx %arg8[%add3A_349, %broadcast_in_dim3A_319], %add3A_352 : memref<64x256xf32, #tpu.memory_space<vmem>>[vector<16xi32>, vector<16xi32>], vector<16xf32>,
      %slice3A_353 = vector.extract_strided_slice %get3A_20 {offsets = [12], sizes = [1], strides = [1]} : vector<16xi32> to vector<1xi32>
      %squeeze3A_354 = vector.extract %slice3A_353[0] : i32 from vector<1xi32>
      %shift_right_arithmetic3A_355 = arith.constant 7 : i32
      %shift_right_arithmetic3A_356 = arith.shrsi %squeeze3A_354, %shift_right_arithmetic3A_355 : i32
      %mul3A_357 = arith.constant 128 : i32
      %mul3A_358 = arith.muli %shift_right_arithmetic3A_356, %mul3A_357 : i32
      %multiple_of3A_359 = tpu.assume_multiple %mul3A_358, 128 : i32
      %dma_start3A_360 = arith.constant 0 : i32
      %dma_start3A_361 = tpu.memref_slice %arg3[%dma_start3A_360, %multiple_of3A_359] : memref<64x1000000xf32, #tpu.memory_space<hbm>> -> memref<64x128xf32, #tpu.memory_space<hbm>>
      %dma_start3A_362 = arith.constant 0 : i32
      %dma_start3A_363 = tpu.memref_slice %arg3[%dma_start3A_362, %multiple_of3A_359] : memref<64x1000000xf32, #tpu.memory_space<hbm>> -> memref<64x128xf32, #tpu.memory_space<hbm>>
      tpu.enqueue_dma source(%dma_start3A_363 : memref<64x128xf32, #tpu.memory_space<hbm>>) target(%arg13 : memref<64x128xf32, #tpu.memory_space<vmem>>) target_semaphore(%arg18 : memref<!tpu.dma_semaphore, #tpu.memory_space<semaphore_mem>>)
      %slice3A_364 = vector.extract_strided_slice %get3A_20 {offsets = [5], sizes = [1], strides = [1]} : vector<16xi32> to vector<1xi32>
      %squeeze3A_365 = vector.extract %slice3A_364[0] : i32 from vector<1xi32>
      %and3A_366 = arith.constant 127 : i32
      %and3A_367 = arith.andi %squeeze3A_365, %and3A_366 : i32
      %broadcast_in_dim3A_368 = vector.broadcast %and3A_367 : i32 to vector<16xi32>
      %add3A_369 = arith.constant 5 : i32
      %add3A_370 = arith.addi %mul3A_22, %add3A_369 : i32
      %broadcast_in_dim3A_371 = vector.broadcast %add3A_370 : i32 to vector<16xi32>
      %add3A_372 = arith.constant 5 : i32
      %add3A_373 = arith.addi %mul3A_22, %add3A_372 : i32
      %sub3A_374 = arith.constant 255 : i32
      %sub3A_375 = arith.subi %sub3A_374, %add3A_373 : i32
      %broadcast_in_dim3A_376 = vector.broadcast %sub3A_375 : i32 to vector<16xi32>
      %dma_wait3A_377 = arith.constant 0 : i32
      %dma_wait3A_378 = tpu.memref_slice %arg3[%dma_wait3A_377, %multiple_of3A_80] : memref<64x1000000xf32, #tpu.memory_space<hbm>> -> memref<64x128xf32, #tpu.memory_space<hbm>>
      %dma_wait3A_379 = arith.constant 0 : i32
      %dma_wait3A_380 = tpu.memref_slice %arg3[%dma_wait3A_379, %multiple_of3A_80] : memref<64x1000000xf32, #tpu.memory_space<hbm>> -> memref<64x128xf32, #tpu.memory_space<hbm>>
      tpu.wait_dma2 semaphore(%arg18 : memref<!tpu.dma_semaphore, #tpu.memory_space<semaphore_mem>>) src(%dma_wait3A_380 : memref<64x128xf32, #tpu.memory_space<hbm>>) dst(%arg14 : memref<64x128xf32, #tpu.memory_space<vmem>>)
      %add3A_381 = arith.constant 0 : i32
      %add3A_382 = vector.broadcast %add3A_381 : i32 to vector<16xi32>
      %add3A_383 = arith.addi %iota3A, %add3A_382 : vector<16xi32>
      %gather3A_384 = tpu.vector_load_idx %arg14[%add3A_383, %broadcast_in_dim3A_368] : memref<64x128xf32, #tpu.memory_space<vmem>>[vector<16xi32>, vector<16xi32>], vector<16xf32>,
      %gather3A_385 = tpu.vector_load_idx %arg7[%add3A_383, %broadcast_in_dim3A_376] : memref<64x256xf32, #tpu.memory_space<vmem>>[vector<16xi32>, vector<16xi32>], vector<16xf32>,
      %add3A_386 = arith.addf %gather3A_384, %gather3A_385 : vector<16xf32>
      tpu.vector_store_idx %arg8[%add3A_383, %broadcast_in_dim3A_371], %add3A_386 : memref<64x256xf32, #tpu.memory_space<vmem>>[vector<16xi32>, vector<16xi32>], vector<16xf32>,
      %add3A_387 = arith.constant 16 : i32
      %add3A_388 = vector.broadcast %add3A_387 : i32 to vector<16xi32>
      %add3A_389 = arith.addi %iota3A, %add3A_388 : vector<16xi32>
      %gather3A_390 = tpu.vector_load_idx %arg14[%add3A_389, %broadcast_in_dim3A_368] : memref<64x128xf32, #tpu.memory_space<vmem>>[vector<16xi32>, vector<16xi32>], vector<16xf32>,
      %gather3A_391 = tpu.vector_load_idx %arg7[%add3A_389, %broadcast_in_dim3A_376] : memref<64x256xf32, #tpu.memory_space<vmem>>[vector<16xi32>, vector<16xi32>], vector<16xf32>,
      %add3A_392 = arith.addf %gather3A_390, %gather3A_391 : vector<16xf32>
      tpu.vector_store_idx %arg8[%add3A_389, %broadcast_in_dim3A_371], %add3A_392 : memref<64x256xf32, #tpu.memory_space<vmem>>[vector<16xi32>, vector<16xi32>], vector<16xf32>,
      %add3A_393 = arith.constant 32 : i32
      %add3A_394 = vector.broadcast %add3A_393 : i32 to vector<16xi32>
      %add3A_395 = arith.addi %iota3A, %add3A_394 : vector<16xi32>
      %gather3A_396 = tpu.vector_load_idx %arg14[%add3A_395, %broadcast_in_dim3A_368] : memref<64x128xf32, #tpu.memory_space<vmem>>[vector<16xi32>, vector<16xi32>], vector<16xf32>,
      %gather3A_397 = tpu.vector_load_idx %arg7[%add3A_395, %broadcast_in_dim3A_376] : memref<64x256xf32, #tpu.memory_space<vmem>>[vector<16xi32>, vector<16xi32>], vector<16xf32>,
      %add3A_398 = arith.addf %gather3A_396, %gather3A_397 : vector<16xf32>
      tpu.vector_store_idx %arg8[%add3A_395, %broadcast_in_dim3A_371], %add3A_398 : memref<64x256xf32, #tpu.memory_space<vmem>>[vector<16xi32>, vector<16xi32>], vector<16xf32>,
      %add3A_399 = arith.constant 48 : i32
      %add3A_400 = vector.broadcast %add3A_399 : i32 to vector<16xi32>
      %add3A_401 = arith.addi %iota3A, %add3A_400 : vector<16xi32>
      %gather3A_402 = tpu.vector_load_idx %arg14[%add3A_401, %broadcast_in_dim3A_368] : memref<64x128xf32, #tpu.memory_space<vmem>>[vector<16xi32>, vector<16xi32>], vector<16xf32>,
      %gather3A_403 = tpu.vector_load_idx %arg7[%add3A_401, %broadcast_in_dim3A_376] : memref<64x256xf32, #tpu.memory_space<vmem>>[vector<16xi32>, vector<16xi32>], vector<16xf32>,
      %add3A_404 = arith.addf %gather3A_402, %gather3A_403 : vector<16xf32>
      tpu.vector_store_idx %arg8[%add3A_401, %broadcast_in_dim3A_371], %add3A_404 : memref<64x256xf32, #tpu.memory_space<vmem>>[vector<16xi32>, vector<16xi32>], vector<16xf32>,
      %slice3A_405 = vector.extract_strided_slice %get3A_20 {offsets = [13], sizes = [1], strides = [1]} : vector<16xi32> to vector<1xi32>
      %squeeze3A_406 = vector.extract %slice3A_405[0] : i32 from vector<1xi32>
      %shift_right_arithmetic3A_407 = arith.constant 7 : i32
      %shift_right_arithmetic3A_408 = arith.shrsi %squeeze3A_406, %shift_right_arithmetic3A_407 : i32
      %mul3A_409 = arith.constant 128 : i32
      %mul3A_410 = arith.muli %shift_right_arithmetic3A_408, %mul3A_409 : i32
      %multiple_of3A_411 = tpu.assume_multiple %mul3A_410, 128 : i32
      %dma_start3A_412 = arith.constant 0 : i32
      %dma_start3A_413 = tpu.memref_slice %arg3[%dma_start3A_412, %multiple_of3A_411] : memref<64x1000000xf32, #tpu.memory_space<hbm>> -> memref<64x128xf32, #tpu.memory_space<hbm>>
      %dma_start3A_414 = arith.constant 0 : i32
      %dma_start3A_415 = tpu.memref_slice %arg3[%dma_start3A_414, %multiple_of3A_411] : memref<64x1000000xf32, #tpu.memory_space<hbm>> -> memref<64x128xf32, #tpu.memory_space<hbm>>
      tpu.enqueue_dma source(%dma_start3A_415 : memref<64x128xf32, #tpu.memory_space<hbm>>) target(%arg14 : memref<64x128xf32, #tpu.memory_space<vmem>>) target_semaphore(%arg18 : memref<!tpu.dma_semaphore, #tpu.memory_space<semaphore_mem>>)
      %slice3A_416 = vector.extract_strided_slice %get3A_20 {offsets = [6], sizes = [1], strides = [1]} : vector<16xi32> to vector<1xi32>
      %squeeze3A_417 = vector.extract %slice3A_416[0] : i32 from vector<1xi32>
      %and3A_418 = arith.constant 127 : i32
      %and3A_419 = arith.andi %squeeze3A_417, %and3A_418 : i32
      %broadcast_in_dim3A_420 = vector.broadcast %and3A_419 : i32 to vector<16xi32>
      %add3A_421 = arith.constant 6 : i32
      %add3A_422 = arith.addi %mul3A_22, %add3A_421 : i32
      %broadcast_in_dim3A_423 = vector.broadcast %add3A_422 : i32 to vector<16xi32>
      %add3A_424 = arith.constant 6 : i32
      %add3A_425 = arith.addi %mul3A_22, %add3A_424 : i32
      %sub3A_426 = arith.constant 255 : i32
      %sub3A_427 = arith.subi %sub3A_426, %add3A_425 : i32
      %broadcast_in_dim3A_428 = vector.broadcast %sub3A_427 : i32 to vector<16xi32>
      %dma_wait3A_429 = arith.constant 0 : i32
      %dma_wait3A_430 = tpu.memref_slice %arg3[%dma_wait3A_429, %multiple_of3A_91] : memref<64x1000000xf32, #tpu.memory_space<hbm>> -> memref<64x128xf32, #tpu.memory_space<hbm>>
      %dma_wait3A_431 = arith.constant 0 : i32
      %dma_wait3A_432 = tpu.memref_slice %arg3[%dma_wait3A_431, %multiple_of3A_91] : memref<64x1000000xf32, #tpu.memory_space<hbm>> -> memref<64x128xf32, #tpu.memory_space<hbm>>
      tpu.wait_dma2 semaphore(%arg18 : memref<!tpu.dma_semaphore, #tpu.memory_space<semaphore_mem>>) src(%dma_wait3A_432 : memref<64x128xf32, #tpu.memory_space<hbm>>) dst(%arg15 : memref<64x128xf32, #tpu.memory_space<vmem>>)
      %add3A_433 = arith.constant 0 : i32
      %add3A_434 = vector.broadcast %add3A_433 : i32 to vector<16xi32>
      %add3A_435 = arith.addi %iota3A, %add3A_434 : vector<16xi32>
      %gather3A_436 = tpu.vector_load_idx %arg15[%add3A_435, %broadcast_in_dim3A_420] : memref<64x128xf32, #tpu.memory_space<vmem>>[vector<16xi32>, vector<16xi32>], vector<16xf32>,
      %gather3A_437 = tpu.vector_load_idx %arg7[%add3A_435, %broadcast_in_dim3A_428] : memref<64x256xf32, #tpu.memory_space<vmem>>[vector<16xi32>, vector<16xi32>], vector<16xf32>,
      %add3A_438 = arith.addf %gather3A_436, %gather3A_437 : vector<16xf32>
      tpu.vector_store_idx %arg8[%add3A_435, %broadcast_in_dim3A_423], %add3A_438 : memref<64x256xf32, #tpu.memory_space<vmem>>[vector<16xi32>, vector<16xi32>], vector<16xf32>,
      %add3A_439 = arith.constant 16 : i32
      %add3A_440 = vector.broadcast %add3A_439 : i32 to vector<16xi32>
      %add3A_441 = arith.addi %iota3A, %add3A_440 : vector<16xi32>
      %gather3A_442 = tpu.vector_load_idx %arg15[%add3A_441, %broadcast_in_dim3A_420] : memref<64x128xf32, #tpu.memory_space<vmem>>[vector<16xi32>, vector<16xi32>], vector<16xf32>,
      %gather3A_443 = tpu.vector_load_idx %arg7[%add3A_441, %broadcast_in_dim3A_428] : memref<64x256xf32, #tpu.memory_space<vmem>>[vector<16xi32>, vector<16xi32>], vector<16xf32>,
      %add3A_444 = arith.addf %gather3A_442, %gather3A_443 : vector<16xf32>
      tpu.vector_store_idx %arg8[%add3A_441, %broadcast_in_dim3A_423], %add3A_444 : memref<64x256xf32, #tpu.memory_space<vmem>>[vector<16xi32>, vector<16xi32>], vector<16xf32>,
      %add3A_445 = arith.constant 32 : i32
      %add3A_446 = vector.broadcast %add3A_445 : i32 to vector<16xi32>
      %add3A_447 = arith.addi %iota3A, %add3A_446 : vector<16xi32>
      %gather3A_448 = tpu.vector_load_idx %arg15[%add3A_447, %broadcast_in_dim3A_420] : memref<64x128xf32, #tpu.memory_space<vmem>>[vector<16xi32>, vector<16xi32>], vector<16xf32>,
      %gather3A_449 = tpu.vector_load_idx %arg7[%add3A_447, %broadcast_in_dim3A_428] : memref<64x256xf32, #tpu.memory_space<vmem>>[vector<16xi32>, vector<16xi32>], vector<16xf32>,
      %add3A_450 = arith.addf %gather3A_448, %gather3A_449 : vector<16xf32>
      tpu.vector_store_idx %arg8[%add3A_447, %broadcast_in_dim3A_423], %add3A_450 : memref<64x256xf32, #tpu.memory_space<vmem>>[vector<16xi32>, vector<16xi32>], vector<16xf32>,
      %add3A_451 = arith.constant 48 : i32
      %add3A_452 = vector.broadcast %add3A_451 : i32 to vector<16xi32>
      %add3A_453 = arith.addi %iota3A, %add3A_452 : vector<16xi32>
      %gather3A_454 = tpu.vector_load_idx %arg15[%add3A_453, %broadcast_in_dim3A_420] : memref<64x128xf32, #tpu.memory_space<vmem>>[vector<16xi32>, vector<16xi32>], vector<16xf32>,
      %gather3A_455 = tpu.vector_load_idx %arg7[%add3A_453, %broadcast_in_dim3A_428] : memref<64x256xf32, #tpu.memory_space<vmem>>[vector<16xi32>, vector<16xi32>], vector<16xf32>,
      %add3A_456 = arith.addf %gather3A_454, %gather3A_455 : vector<16xf32>
      tpu.vector_store_idx %arg8[%add3A_453, %broadcast_in_dim3A_423], %add3A_456 : memref<64x256xf32, #tpu.memory_space<vmem>>[vector<16xi32>, vector<16xi32>], vector<16xf32>,
      %slice3A_457 = vector.extract_strided_slice %get3A_20 {offsets = [14], sizes = [1], strides = [1]} : vector<16xi32> to vector<1xi32>
      %squeeze3A_458 = vector.extract %slice3A_457[0] : i32 from vector<1xi32>
      %shift_right_arithmetic3A_459 = arith.constant 7 : i32
      %shift_right_arithmetic3A_460 = arith.shrsi %squeeze3A_458, %shift_right_arithmetic3A_459 : i32
      %mul3A_461 = arith.constant 128 : i32
      %mul3A_462 = arith.muli %shift_right_arithmetic3A_460, %mul3A_461 : i32
      %multiple_of3A_463 = tpu.assume_multiple %mul3A_462, 128 : i32
      %dma_start3A_464 = arith.constant 0 : i32
      %dma_start3A_465 = tpu.memref_slice %arg3[%dma_start3A_464, %multiple_of3A_463] : memref<64x1000000xf32, #tpu.memory_space<hbm>> -> memref<64x128xf32, #tpu.memory_space<hbm>>
      %dma_start3A_466 = arith.constant 0 : i32
      %dma_start3A_467 = tpu.memref_slice %arg3[%dma_start3A_466, %multiple_of3A_463] : memref<64x1000000xf32, #tpu.memory_space<hbm>> -> memref<64x128xf32, #tpu.memory_space<hbm>>
      tpu.enqueue_dma source(%dma_start3A_467 : memref<64x128xf32, #tpu.memory_space<hbm>>) target(%arg15 : memref<64x128xf32, #tpu.memory_space<vmem>>) target_semaphore(%arg18 : memref<!tpu.dma_semaphore, #tpu.memory_space<semaphore_mem>>)
      %slice3A_468 = vector.extract_strided_slice %get3A_20 {offsets = [7], sizes = [1], strides = [1]} : vector<16xi32> to vector<1xi32>
      %squeeze3A_469 = vector.extract %slice3A_468[0] : i32 from vector<1xi32>
      %and3A_470 = arith.constant 127 : i32
      %and3A_471 = arith.andi %squeeze3A_469, %and3A_470 : i32
      %broadcast_in_dim3A_472 = vector.broadcast %and3A_471 : i32 to vector<16xi32>
      %add3A_473 = arith.constant 7 : i32
      %add3A_474 = arith.addi %mul3A_22, %add3A_473 : i32
      %broadcast_in_dim3A_475 = vector.broadcast %add3A_474 : i32 to vector<16xi32>
      %add3A_476 = arith.constant 7 : i32
      %add3A_477 = arith.addi %mul3A_22, %add3A_476 : i32
      %sub3A_478 = arith.constant 255 : i32
      %sub3A_479 = arith.subi %sub3A_478, %add3A_477 : i32
      %broadcast_in_dim3A_480 = vector.broadcast %sub3A_479 : i32 to vector<16xi32>
      %dma_wait3A_481 = arith.constant 0 : i32
      %dma_wait3A_482 = tpu.memref_slice %arg3[%dma_wait3A_481, %multiple_of3A_102] : memref<64x1000000xf32, #tpu.memory_space<hbm>> -> memref<64x128xf32, #tpu.memory_space<hbm>>
      %dma_wait3A_483 = arith.constant 0 : i32
      %dma_wait3A_484 = tpu.memref_slice %arg3[%dma_wait3A_483, %multiple_of3A_102] : memref<64x1000000xf32, #tpu.memory_space<hbm>> -> memref<64x128xf32, #tpu.memory_space<hbm>>
      tpu.wait_dma2 semaphore(%arg18 : memref<!tpu.dma_semaphore, #tpu.memory_space<semaphore_mem>>) src(%dma_wait3A_484 : memref<64x128xf32, #tpu.memory_space<hbm>>) dst(%arg16 : memref<64x128xf32, #tpu.memory_space<vmem>>)
      %add3A_485 = arith.constant 0 : i32
      %add3A_486 = vector.broadcast %add3A_485 : i32 to vector<16xi32>
      %add3A_487 = arith.addi %iota3A, %add3A_486 : vector<16xi32>
      %gather3A_488 = tpu.vector_load_idx %arg16[%add3A_487, %broadcast_in_dim3A_472] : memref<64x128xf32, #tpu.memory_space<vmem>>[vector<16xi32>, vector<16xi32>], vector<16xf32>,
      %gather3A_489 = tpu.vector_load_idx %arg7[%add3A_487, %broadcast_in_dim3A_480] : memref<64x256xf32, #tpu.memory_space<vmem>>[vector<16xi32>, vector<16xi32>], vector<16xf32>,
      %add3A_490 = arith.addf %gather3A_488, %gather3A_489 : vector<16xf32>
      tpu.vector_store_idx %arg8[%add3A_487, %broadcast_in_dim3A_475], %add3A_490 : memref<64x256xf32, #tpu.memory_space<vmem>>[vector<16xi32>, vector<16xi32>], vector<16xf32>,
      %add3A_491 = arith.constant 16 : i32
      %add3A_492 = vector.broadcast %add3A_491 : i32 to vector<16xi32>
      %add3A_493 = arith.addi %iota3A, %add3A_492 : vector<16xi32>
      %gather3A_494 = tpu.vector_load_idx %arg16[%add3A_493, %broadcast_in_dim3A_472] : memref<64x128xf32, #tpu.memory_space<vmem>>[vector<16xi32>, vector<16xi32>], vector<16xf32>,
      %gather3A_495 = tpu.vector_load_idx %arg7[%add3A_493, %broadcast_in_dim3A_480] : memref<64x256xf32, #tpu.memory_space<vmem>>[vector<16xi32>, vector<16xi32>], vector<16xf32>,
      %add3A_496 = arith.addf %gather3A_494, %gather3A_495 : vector<16xf32>
      tpu.vector_store_idx %arg8[%add3A_493, %broadcast_in_dim3A_475], %add3A_496 : memref<64x256xf32, #tpu.memory_space<vmem>>[vector<16xi32>, vector<16xi32>], vector<16xf32>,
      %add3A_497 = arith.constant 32 : i32
      %add3A_498 = vector.broadcast %add3A_497 : i32 to vector<16xi32>
      %add3A_499 = arith.addi %iota3A, %add3A_498 : vector<16xi32>
      %gather3A_500 = tpu.vector_load_idx %arg16[%add3A_499, %broadcast_in_dim3A_472] : memref<64x128xf32, #tpu.memory_space<vmem>>[vector<16xi32>, vector<16xi32>], vector<16xf32>,
      %gather3A_501 = tpu.vector_load_idx %arg7[%add3A_499, %broadcast_in_dim3A_480] : memref<64x256xf32, #tpu.memory_space<vmem>>[vector<16xi32>, vector<16xi32>], vector<16xf32>,
      %add3A_502 = arith.addf %gather3A_500, %gather3A_501 : vector<16xf32>
      tpu.vector_store_idx %arg8[%add3A_499, %broadcast_in_dim3A_475], %add3A_502 : memref<64x256xf32, #tpu.memory_space<vmem>>[vector<16xi32>, vector<16xi32>], vector<16xf32>,
      %add3A_503 = arith.constant 48 : i32
      %add3A_504 = vector.broadcast %add3A_503 : i32 to vector<16xi32>
      %add3A_505 = arith.addi %iota3A, %add3A_504 : vector<16xi32>
      %gather3A_506 = tpu.vector_load_idx %arg16[%add3A_505, %broadcast_in_dim3A_472] : memref<64x128xf32, #tpu.memory_space<vmem>>[vector<16xi32>, vector<16xi32>], vector<16xf32>,
      %gather3A_507 = tpu.vector_load_idx %arg7[%add3A_505, %broadcast_in_dim3A_480] : memref<64x256xf32, #tpu.memory_space<vmem>>[vector<16xi32>, vector<16xi32>], vector<16xf32>,
      %add3A_508 = arith.addf %gather3A_506, %gather3A_507 : vector<16xf32>
      tpu.vector_store_idx %arg8[%add3A_505, %broadcast_in_dim3A_475], %add3A_508 : memref<64x256xf32, #tpu.memory_space<vmem>>[vector<16xi32>, vector<16xi32>], vector<16xf32>,
      %slice3A_509 = vector.extract_strided_slice %get3A_20 {offsets = [15], sizes = [1], strides = [1]} : vector<16xi32> to vector<1xi32>
      %squeeze3A_510 = vector.extract %slice3A_509[0] : i32 from vector<1xi32>
      %shift_right_arithmetic3A_511 = arith.constant 7 : i32
      %shift_right_arithmetic3A_512 = arith.shrsi %squeeze3A_510, %shift_right_arithmetic3A_511 : i32
      %mul3A_513 = arith.constant 128 : i32
      %mul3A_514 = arith.muli %shift_right_arithmetic3A_512, %mul3A_513 : i32
      %multiple_of3A_515 = tpu.assume_multiple %mul3A_514, 128 : i32
      %dma_start3A_516 = arith.constant 0 : i32
      %dma_start3A_517 = tpu.memref_slice %arg3[%dma_start3A_516, %multiple_of3A_515] : memref<64x1000000xf32, #tpu.memory_space<hbm>> -> memref<64x128xf32, #tpu.memory_space<hbm>>
      %dma_start3A_518 = arith.constant 0 : i32
      %dma_start3A_519 = tpu.memref_slice %arg3[%dma_start3A_518, %multiple_of3A_515] : memref<64x1000000xf32, #tpu.memory_space<hbm>> -> memref<64x128xf32, #tpu.memory_space<hbm>>
      tpu.enqueue_dma source(%dma_start3A_519 : memref<64x128xf32, #tpu.memory_space<hbm>>) target(%arg16 : memref<64x128xf32, #tpu.memory_space<vmem>>) target_semaphore(%arg18 : memref<!tpu.dma_semaphore, #tpu.memory_space<semaphore_mem>>)
      %slice3A_520 = vector.extract_strided_slice %get3A_20 {offsets = [8], sizes = [1], strides = [1]} : vector<16xi32> to vector<1xi32>
      %squeeze3A_521 = vector.extract %slice3A_520[0] : i32 from vector<1xi32>
      %and3A_522 = arith.constant 127 : i32
      %and3A_523 = arith.andi %squeeze3A_521, %and3A_522 : i32
      %broadcast_in_dim3A_524 = vector.broadcast %and3A_523 : i32 to vector<16xi32>
      %add3A_525 = arith.constant 8 : i32
      %add3A_526 = arith.addi %mul3A_22, %add3A_525 : i32
      %broadcast_in_dim3A_527 = vector.broadcast %add3A_526 : i32 to vector<16xi32>
      %add3A_528 = arith.constant 8 : i32
      %add3A_529 = arith.addi %mul3A_22, %add3A_528 : i32
      %sub3A_530 = arith.constant 255 : i32
      %sub3A_531 = arith.subi %sub3A_530, %add3A_529 : i32
      %broadcast_in_dim3A_532 = vector.broadcast %sub3A_531 : i32 to vector<16xi32>
      %dma_wait3A_533 = arith.constant 0 : i32
      %dma_wait3A_534 = tpu.memref_slice %arg3[%dma_wait3A_533, %multiple_of3A_151] : memref<64x1000000xf32, #tpu.memory_space<hbm>> -> memref<64x128xf32, #tpu.memory_space<hbm>>
      %dma_wait3A_535 = arith.constant 0 : i32
      %dma_wait3A_536 = tpu.memref_slice %arg3[%dma_wait3A_535, %multiple_of3A_151] : memref<64x1000000xf32, #tpu.memory_space<hbm>> -> memref<64x128xf32, #tpu.memory_space<hbm>>
      tpu.wait_dma2 semaphore(%arg18 : memref<!tpu.dma_semaphore, #tpu.memory_space<semaphore_mem>>) src(%dma_wait3A_536 : memref<64x128xf32, #tpu.memory_space<hbm>>) dst(%arg9 : memref<64x128xf32, #tpu.memory_space<vmem>>)
      %add3A_537 = arith.constant 0 : i32
      %add3A_538 = vector.broadcast %add3A_537 : i32 to vector<16xi32>
      %add3A_539 = arith.addi %iota3A, %add3A_538 : vector<16xi32>
      %gather3A_540 = tpu.vector_load_idx %arg9[%add3A_539, %broadcast_in_dim3A_524] : memref<64x128xf32, #tpu.memory_space<vmem>>[vector<16xi32>, vector<16xi32>], vector<16xf32>,
      %gather3A_541 = tpu.vector_load_idx %arg7[%add3A_539, %broadcast_in_dim3A_532] : memref<64x256xf32, #tpu.memory_space<vmem>>[vector<16xi32>, vector<16xi32>], vector<16xf32>,
      %add3A_542 = arith.addf %gather3A_540, %gather3A_541 : vector<16xf32>
      tpu.vector_store_idx %arg8[%add3A_539, %broadcast_in_dim3A_527], %add3A_542 : memref<64x256xf32, #tpu.memory_space<vmem>>[vector<16xi32>, vector<16xi32>], vector<16xf32>,
      %add3A_543 = arith.constant 16 : i32
      %add3A_544 = vector.broadcast %add3A_543 : i32 to vector<16xi32>
      %add3A_545 = arith.addi %iota3A, %add3A_544 : vector<16xi32>
      %gather3A_546 = tpu.vector_load_idx %arg9[%add3A_545, %broadcast_in_dim3A_524] : memref<64x128xf32, #tpu.memory_space<vmem>>[vector<16xi32>, vector<16xi32>], vector<16xf32>,
      %gather3A_547 = tpu.vector_load_idx %arg7[%add3A_545, %broadcast_in_dim3A_532] : memref<64x256xf32, #tpu.memory_space<vmem>>[vector<16xi32>, vector<16xi32>], vector<16xf32>,
      %add3A_548 = arith.addf %gather3A_546, %gather3A_547 : vector<16xf32>
      tpu.vector_store_idx %arg8[%add3A_545, %broadcast_in_dim3A_527], %add3A_548 : memref<64x256xf32, #tpu.memory_space<vmem>>[vector<16xi32>, vector<16xi32>], vector<16xf32>,
      %add3A_549 = arith.constant 32 : i32
      %add3A_550 = vector.broadcast %add3A_549 : i32 to vector<16xi32>
      %add3A_551 = arith.addi %iota3A, %add3A_550 : vector<16xi32>
      %gather3A_552 = tpu.vector_load_idx %arg9[%add3A_551, %broadcast_in_dim3A_524] : memref<64x128xf32, #tpu.memory_space<vmem>>[vector<16xi32>, vector<16xi32>], vector<16xf32>,
      %gather3A_553 = tpu.vector_load_idx %arg7[%add3A_551, %broadcast_in_dim3A_532] : memref<64x256xf32, #tpu.memory_space<vmem>>[vector<16xi32>, vector<16xi32>], vector<16xf32>,
      %add3A_554 = arith.addf %gather3A_552, %gather3A_553 : vector<16xf32>
      tpu.vector_store_idx %arg8[%add3A_551, %broadcast_in_dim3A_527], %add3A_554 : memref<64x256xf32, #tpu.memory_space<vmem>>[vector<16xi32>, vector<16xi32>], vector<16xf32>,
      %add3A_555 = arith.constant 48 : i32
      %add3A_556 = vector.broadcast %add3A_555 : i32 to vector<16xi32>
      %add3A_557 = arith.addi %iota3A, %add3A_556 : vector<16xi32>
      %gather3A_558 = tpu.vector_load_idx %arg9[%add3A_557, %broadcast_in_dim3A_524] : memref<64x128xf32, #tpu.memory_space<vmem>>[vector<16xi32>, vector<16xi32>], vector<16xf32>,
      %gather3A_559 = tpu.vector_load_idx %arg7[%add3A_557, %broadcast_in_dim3A_532] : memref<64x256xf32, #tpu.memory_space<vmem>>[vector<16xi32>, vector<16xi32>], vector<16xf32>,
      %add3A_560 = arith.addf %gather3A_558, %gather3A_559 : vector<16xf32>
      tpu.vector_store_idx %arg8[%add3A_557, %broadcast_in_dim3A_527], %add3A_560 : memref<64x256xf32, #tpu.memory_space<vmem>>[vector<16xi32>, vector<16xi32>], vector<16xf32>,
      %slice3A_561 = vector.extract_strided_slice %get3A_20 {offsets = [9], sizes = [1], strides = [1]} : vector<16xi32> to vector<1xi32>
      %squeeze3A_562 = vector.extract %slice3A_561[0] : i32 from vector<1xi32>
      %and3A_563 = arith.constant 127 : i32
      %and3A_564 = arith.andi %squeeze3A_562, %and3A_563 : i32
      %broadcast_in_dim3A_565 = vector.broadcast %and3A_564 : i32 to vector<16xi32>
      %add3A_566 = arith.constant 9 : i32
      %add3A_567 = arith.addi %mul3A_22, %add3A_566 : i32
      %broadcast_in_dim3A_568 = vector.broadcast %add3A_567 : i32 to vector<16xi32>
      %add3A_569 = arith.constant 9 : i32
      %add3A_570 = arith.addi %mul3A_22, %add3A_569 : i32
      %sub3A_571 = arith.constant 255 : i32
      %sub3A_572 = arith.subi %sub3A_571, %add3A_570 : i32
      %broadcast_in_dim3A_573 = vector.broadcast %sub3A_572 : i32 to vector<16xi32>
      %dma_wait3A_574 = arith.constant 0 : i32
      %dma_wait3A_575 = tpu.memref_slice %arg3[%dma_wait3A_574, %multiple_of3A_203] : memref<64x1000000xf32, #tpu.memory_space<hbm>> -> memref<64x128xf32, #tpu.memory_space<hbm>>
      %dma_wait3A_576 = arith.constant 0 : i32
      %dma_wait3A_577 = tpu.memref_slice %arg3[%dma_wait3A_576, %multiple_of3A_203] : memref<64x1000000xf32, #tpu.memory_space<hbm>> -> memref<64x128xf32, #tpu.memory_space<hbm>>
      tpu.wait_dma2 semaphore(%arg18 : memref<!tpu.dma_semaphore, #tpu.memory_space<semaphore_mem>>) src(%dma_wait3A_577 : memref<64x128xf32, #tpu.memory_space<hbm>>) dst(%arg10 : memref<64x128xf32, #tpu.memory_space<vmem>>)
      %add3A_578 = arith.constant 0 : i32
      %add3A_579 = vector.broadcast %add3A_578 : i32 to vector<16xi32>
      %add3A_580 = arith.addi %iota3A, %add3A_579 : vector<16xi32>
      %gather3A_581 = tpu.vector_load_idx %arg10[%add3A_580, %broadcast_in_dim3A_565] : memref<64x128xf32, #tpu.memory_space<vmem>>[vector<16xi32>, vector<16xi32>], vector<16xf32>,
      %gather3A_582 = tpu.vector_load_idx %arg7[%add3A_580, %broadcast_in_dim3A_573] : memref<64x256xf32, #tpu.memory_space<vmem>>[vector<16xi32>, vector<16xi32>], vector<16xf32>,
      %add3A_583 = arith.addf %gather3A_581, %gather3A_582 : vector<16xf32>
      tpu.vector_store_idx %arg8[%add3A_580, %broadcast_in_dim3A_568], %add3A_583 : memref<64x256xf32, #tpu.memory_space<vmem>>[vector<16xi32>, vector<16xi32>], vector<16xf32>,
      %add3A_584 = arith.constant 16 : i32
      %add3A_585 = vector.broadcast %add3A_584 : i32 to vector<16xi32>
      %add3A_586 = arith.addi %iota3A, %add3A_585 : vector<16xi32>
      %gather3A_587 = tpu.vector_load_idx %arg10[%add3A_586, %broadcast_in_dim3A_565] : memref<64x128xf32, #tpu.memory_space<vmem>>[vector<16xi32>, vector<16xi32>], vector<16xf32>,
      %gather3A_588 = tpu.vector_load_idx %arg7[%add3A_586, %broadcast_in_dim3A_573] : memref<64x256xf32, #tpu.memory_space<vmem>>[vector<16xi32>, vector<16xi32>], vector<16xf32>,
      %add3A_589 = arith.addf %gather3A_587, %gather3A_588 : vector<16xf32>
      tpu.vector_store_idx %arg8[%add3A_586, %broadcast_in_dim3A_568], %add3A_589 : memref<64x256xf32, #tpu.memory_space<vmem>>[vector<16xi32>, vector<16xi32>], vector<16xf32>,
      %add3A_590 = arith.constant 32 : i32
      %add3A_591 = vector.broadcast %add3A_590 : i32 to vector<16xi32>
      %add3A_592 = arith.addi %iota3A, %add3A_591 : vector<16xi32>
      %gather3A_593 = tpu.vector_load_idx %arg10[%add3A_592, %broadcast_in_dim3A_565] : memref<64x128xf32, #tpu.memory_space<vmem>>[vector<16xi32>, vector<16xi32>], vector<16xf32>,
      %gather3A_594 = tpu.vector_load_idx %arg7[%add3A_592, %broadcast_in_dim3A_573] : memref<64x256xf32, #tpu.memory_space<vmem>>[vector<16xi32>, vector<16xi32>], vector<16xf32>,
      %add3A_595 = arith.addf %gather3A_593, %gather3A_594 : vector<16xf32>
      tpu.vector_store_idx %arg8[%add3A_592, %broadcast_in_dim3A_568], %add3A_595 : memref<64x256xf32, #tpu.memory_space<vmem>>[vector<16xi32>, vector<16xi32>], vector<16xf32>,
      %add3A_596 = arith.constant 48 : i32
      %add3A_597 = vector.broadcast %add3A_596 : i32 to vector<16xi32>
      %add3A_598 = arith.addi %iota3A, %add3A_597 : vector<16xi32>
      %gather3A_599 = tpu.vector_load_idx %arg10[%add3A_598, %broadcast_in_dim3A_565] : memref<64x128xf32, #tpu.memory_space<vmem>>[vector<16xi32>, vector<16xi32>], vector<16xf32>,
      %gather3A_600 = tpu.vector_load_idx %arg7[%add3A_598, %broadcast_in_dim3A_573] : memref<64x256xf32, #tpu.memory_space<vmem>>[vector<16xi32>, vector<16xi32>], vector<16xf32>,
      %add3A_601 = arith.addf %gather3A_599, %gather3A_600 : vector<16xf32>
      tpu.vector_store_idx %arg8[%add3A_598, %broadcast_in_dim3A_568], %add3A_601 : memref<64x256xf32, #tpu.memory_space<vmem>>[vector<16xi32>, vector<16xi32>], vector<16xf32>,
      %slice3A_602 = vector.extract_strided_slice %get3A_20 {offsets = [10], sizes = [1], strides = [1]} : vector<16xi32> to vector<1xi32>
      %squeeze3A_603 = vector.extract %slice3A_602[0] : i32 from vector<1xi32>
      %and3A_604 = arith.constant 127 : i32
      %and3A_605 = arith.andi %squeeze3A_603, %and3A_604 : i32
      %broadcast_in_dim3A_606 = vector.broadcast %and3A_605 : i32 to vector<16xi32>
      %add3A_607 = arith.constant 10 : i32
      %add3A_608 = arith.addi %mul3A_22, %add3A_607 : i32
      %broadcast_in_dim3A_609 = vector.broadcast %add3A_608 : i32 to vector<16xi32>
      %add3A_610 = arith.constant 10 : i32
      %add3A_611 = arith.addi %mul3A_22, %add3A_610 : i32
      %sub3A_612 = arith.constant 255 : i32
      %sub3A_613 = arith.subi %sub3A_612, %add3A_611 : i32
      %broadcast_in_dim3A_614 = vector.broadcast %sub3A_613 : i32 to vector<16xi32>
      %dma_wait3A_615 = arith.constant 0 : i32
      %dma_wait3A_616 = tpu.memref_slice %arg3[%dma_wait3A_615, %multiple_of3A_255] : memref<64x1000000xf32, #tpu.memory_space<hbm>> -> memref<64x128xf32, #tpu.memory_space<hbm>>
      %dma_wait3A_617 = arith.constant 0 : i32
      %dma_wait3A_618 = tpu.memref_slice %arg3[%dma_wait3A_617, %multiple_of3A_255] : memref<64x1000000xf32, #tpu.memory_space<hbm>> -> memref<64x128xf32, #tpu.memory_space<hbm>>
      tpu.wait_dma2 semaphore(%arg18 : memref<!tpu.dma_semaphore, #tpu.memory_space<semaphore_mem>>) src(%dma_wait3A_618 : memref<64x128xf32, #tpu.memory_space<hbm>>) dst(%arg11 : memref<64x128xf32, #tpu.memory_space<vmem>>)
      %add3A_619 = arith.constant 0 : i32
      %add3A_620 = vector.broadcast %add3A_619 : i32 to vector<16xi32>
      %add3A_621 = arith.addi %iota3A, %add3A_620 : vector<16xi32>
      %gather3A_622 = tpu.vector_load_idx %arg11[%add3A_621, %broadcast_in_dim3A_606] : memref<64x128xf32, #tpu.memory_space<vmem>>[vector<16xi32>, vector<16xi32>], vector<16xf32>,
      %gather3A_623 = tpu.vector_load_idx %arg7[%add3A_621, %broadcast_in_dim3A_614] : memref<64x256xf32, #tpu.memory_space<vmem>>[vector<16xi32>, vector<16xi32>], vector<16xf32>,
      %add3A_624 = arith.addf %gather3A_622, %gather3A_623 : vector<16xf32>
      tpu.vector_store_idx %arg8[%add3A_621, %broadcast_in_dim3A_609], %add3A_624 : memref<64x256xf32, #tpu.memory_space<vmem>>[vector<16xi32>, vector<16xi32>], vector<16xf32>,
      %add3A_625 = arith.constant 16 : i32
      %add3A_626 = vector.broadcast %add3A_625 : i32 to vector<16xi32>
      %add3A_627 = arith.addi %iota3A, %add3A_626 : vector<16xi32>
      %gather3A_628 = tpu.vector_load_idx %arg11[%add3A_627, %broadcast_in_dim3A_606] : memref<64x128xf32, #tpu.memory_space<vmem>>[vector<16xi32>, vector<16xi32>], vector<16xf32>,
      %gather3A_629 = tpu.vector_load_idx %arg7[%add3A_627, %broadcast_in_dim3A_614] : memref<64x256xf32, #tpu.memory_space<vmem>>[vector<16xi32>, vector<16xi32>], vector<16xf32>,
      %add3A_630 = arith.addf %gather3A_628, %gather3A_629 : vector<16xf32>
      tpu.vector_store_idx %arg8[%add3A_627, %broadcast_in_dim3A_609], %add3A_630 : memref<64x256xf32, #tpu.memory_space<vmem>>[vector<16xi32>, vector<16xi32>], vector<16xf32>,
      %add3A_631 = arith.constant 32 : i32
      %add3A_632 = vector.broadcast %add3A_631 : i32 to vector<16xi32>
      %add3A_633 = arith.addi %iota3A, %add3A_632 : vector<16xi32>
      %gather3A_634 = tpu.vector_load_idx %arg11[%add3A_633, %broadcast_in_dim3A_606] : memref<64x128xf32, #tpu.memory_space<vmem>>[vector<16xi32>, vector<16xi32>], vector<16xf32>,
      %gather3A_635 = tpu.vector_load_idx %arg7[%add3A_633, %broadcast_in_dim3A_614] : memref<64x256xf32, #tpu.memory_space<vmem>>[vector<16xi32>, vector<16xi32>], vector<16xf32>,
      %add3A_636 = arith.addf %gather3A_634, %gather3A_635 : vector<16xf32>
      tpu.vector_store_idx %arg8[%add3A_633, %broadcast_in_dim3A_609], %add3A_636 : memref<64x256xf32, #tpu.memory_space<vmem>>[vector<16xi32>, vector<16xi32>], vector<16xf32>,
      %add3A_637 = arith.constant 48 : i32
      %add3A_638 = vector.broadcast %add3A_637 : i32 to vector<16xi32>
      %add3A_639 = arith.addi %iota3A, %add3A_638 : vector<16xi32>
      %gather3A_640 = tpu.vector_load_idx %arg11[%add3A_639, %broadcast_in_dim3A_606] : memref<64x128xf32, #tpu.memory_space<vmem>>[vector<16xi32>, vector<16xi32>], vector<16xf32>,
      %gather3A_641 = tpu.vector_load_idx %arg7[%add3A_639, %broadcast_in_dim3A_614] : memref<64x256xf32, #tpu.memory_space<vmem>>[vector<16xi32>, vector<16xi32>], vector<16xf32>,
      %add3A_642 = arith.addf %gather3A_640, %gather3A_641 : vector<16xf32>
      tpu.vector_store_idx %arg8[%add3A_639, %broadcast_in_dim3A_609], %add3A_642 : memref<64x256xf32, #tpu.memory_space<vmem>>[vector<16xi32>, vector<16xi32>], vector<16xf32>,
      %slice3A_643 = vector.extract_strided_slice %get3A_20 {offsets = [11], sizes = [1], strides = [1]} : vector<16xi32> to vector<1xi32>
      %squeeze3A_644 = vector.extract %slice3A_643[0] : i32 from vector<1xi32>
      %and3A_645 = arith.constant 127 : i32
      %and3A_646 = arith.andi %squeeze3A_644, %and3A_645 : i32
      %broadcast_in_dim3A_647 = vector.broadcast %and3A_646 : i32 to vector<16xi32>
      %add3A_648 = arith.constant 11 : i32
      %add3A_649 = arith.addi %mul3A_22, %add3A_648 : i32
      %broadcast_in_dim3A_650 = vector.broadcast %add3A_649 : i32 to vector<16xi32>
      %add3A_651 = arith.constant 11 : i32
      %add3A_652 = arith.addi %mul3A_22, %add3A_651 : i32
      %sub3A_653 = arith.constant 255 : i32
      %sub3A_654 = arith.subi %sub3A_653, %add3A_652 : i32
      %broadcast_in_dim3A_655 = vector.broadcast %sub3A_654 : i32 to vector<16xi32>
      %dma_wait3A_656 = arith.constant 0 : i32
      %dma_wait3A_657 = tpu.memref_slice %arg3[%dma_wait3A_656, %multiple_of3A_307] : memref<64x1000000xf32, #tpu.memory_space<hbm>> -> memref<64x128xf32, #tpu.memory_space<hbm>>
      %dma_wait3A_658 = arith.constant 0 : i32
      %dma_wait3A_659 = tpu.memref_slice %arg3[%dma_wait3A_658, %multiple_of3A_307] : memref<64x1000000xf32, #tpu.memory_space<hbm>> -> memref<64x128xf32, #tpu.memory_space<hbm>>
      tpu.wait_dma2 semaphore(%arg18 : memref<!tpu.dma_semaphore, #tpu.memory_space<semaphore_mem>>) src(%dma_wait3A_659 : memref<64x128xf32, #tpu.memory_space<hbm>>) dst(%arg12 : memref<64x128xf32, #tpu.memory_space<vmem>>)
      %add3A_660 = arith.constant 0 : i32
      %add3A_661 = vector.broadcast %add3A_660 : i32 to vector<16xi32>
      %add3A_662 = arith.addi %iota3A, %add3A_661 : vector<16xi32>
      %gather3A_663 = tpu.vector_load_idx %arg12[%add3A_662, %broadcast_in_dim3A_647] : memref<64x128xf32, #tpu.memory_space<vmem>>[vector<16xi32>, vector<16xi32>], vector<16xf32>,
      %gather3A_664 = tpu.vector_load_idx %arg7[%add3A_662, %broadcast_in_dim3A_655] : memref<64x256xf32, #tpu.memory_space<vmem>>[vector<16xi32>, vector<16xi32>], vector<16xf32>,
      %add3A_665 = arith.addf %gather3A_663, %gather3A_664 : vector<16xf32>
      tpu.vector_store_idx %arg8[%add3A_662, %broadcast_in_dim3A_650], %add3A_665 : memref<64x256xf32, #tpu.memory_space<vmem>>[vector<16xi32>, vector<16xi32>], vector<16xf32>,
      %add3A_666 = arith.constant 16 : i32
      %add3A_667 = vector.broadcast %add3A_666 : i32 to vector<16xi32>
      %add3A_668 = arith.addi %iota3A, %add3A_667 : vector<16xi32>
      %gather3A_669 = tpu.vector_load_idx %arg12[%add3A_668, %broadcast_in_dim3A_647] : memref<64x128xf32, #tpu.memory_space<vmem>>[vector<16xi32>, vector<16xi32>], vector<16xf32>,
      %gather3A_670 = tpu.vector_load_idx %arg7[%add3A_668, %broadcast_in_dim3A_655] : memref<64x256xf32, #tpu.memory_space<vmem>>[vector<16xi32>, vector<16xi32>], vector<16xf32>,
      %add3A_671 = arith.addf %gather3A_669, %gather3A_670 : vector<16xf32>
      tpu.vector_store_idx %arg8[%add3A_668, %broadcast_in_dim3A_650], %add3A_671 : memref<64x256xf32, #tpu.memory_space<vmem>>[vector<16xi32>, vector<16xi32>], vector<16xf32>,
      %add3A_672 = arith.constant 32 : i32
      %add3A_673 = vector.broadcast %add3A_672 : i32 to vector<16xi32>
      %add3A_674 = arith.addi %iota3A, %add3A_673 : vector<16xi32>
      %gather3A_675 = tpu.vector_load_idx %arg12[%add3A_674, %broadcast_in_dim3A_647] : memref<64x128xf32, #tpu.memory_space<vmem>>[vector<16xi32>, vector<16xi32>], vector<16xf32>,
      %gather3A_676 = tpu.vector_load_idx %arg7[%add3A_674, %broadcast_in_dim3A_655] : memref<64x256xf32, #tpu.memory_space<vmem>>[vector<16xi32>, vector<16xi32>], vector<16xf32>,
      %add3A_677 = arith.addf %gather3A_675, %gather3A_676 : vector<16xf32>
      tpu.vector_store_idx %arg8[%add3A_674, %broadcast_in_dim3A_650], %add3A_677 : memref<64x256xf32, #tpu.memory_space<vmem>>[vector<16xi32>, vector<16xi32>], vector<16xf32>,
      %add3A_678 = arith.constant 48 : i32
      %add3A_679 = vector.broadcast %add3A_678 : i32 to vector<16xi32>
      %add3A_680 = arith.addi %iota3A, %add3A_679 : vector<16xi32>
      %gather3A_681 = tpu.vector_load_idx %arg12[%add3A_680, %broadcast_in_dim3A_647] : memref<64x128xf32, #tpu.memory_space<vmem>>[vector<16xi32>, vector<16xi32>], vector<16xf32>,
      %gather3A_682 = tpu.vector_load_idx %arg7[%add3A_680, %broadcast_in_dim3A_655] : memref<64x256xf32, #tpu.memory_space<vmem>>[vector<16xi32>, vector<16xi32>], vector<16xf32>,
      %add3A_683 = arith.addf %gather3A_681, %gather3A_682 : vector<16xf32>
      tpu.vector_store_idx %arg8[%add3A_680, %broadcast_in_dim3A_650], %add3A_683 : memref<64x256xf32, #tpu.memory_space<vmem>>[vector<16xi32>, vector<16xi32>], vector<16xf32>,
      %slice3A_684 = vector.extract_strided_slice %get3A_20 {offsets = [12], sizes = [1], strides = [1]} : vector<16xi32> to vector<1xi32>
      %squeeze3A_685 = vector.extract %slice3A_684[0] : i32 from vector<1xi32>
      %and3A_686 = arith.constant 127 : i32
      %and3A_687 = arith.andi %squeeze3A_685, %and3A_686 : i32
      %broadcast_in_dim3A_688 = vector.broadcast %and3A_687 : i32 to vector<16xi32>
      %add3A_689 = arith.constant 12 : i32
      %add3A_690 = arith.addi %mul3A_22, %add3A_689 : i32
      %broadcast_in_dim3A_691 = vector.broadcast %add3A_690 : i32 to vector<16xi32>
      %add3A_692 = arith.constant 12 : i32
      %add3A_693 = arith.addi %mul3A_22, %add3A_692 : i32
      %sub3A_694 = arith.constant 255 : i32
      %sub3A_695 = arith.subi %sub3A_694, %add3A_693 : i32
      %broadcast_in_dim3A_696 = vector.broadcast %sub3A_695 : i32 to vector<16xi32>
      %dma_wait3A_697 = arith.constant 0 : i32
      %dma_wait3A_698 = tpu.memref_slice %arg3[%dma_wait3A_697, %multiple_of3A_359] : memref<64x1000000xf32, #tpu.memory_space<hbm>> -> memref<64x128xf32, #tpu.memory_space<hbm>>
      %dma_wait3A_699 = arith.constant 0 : i32
      %dma_wait3A_700 = tpu.memref_slice %arg3[%dma_wait3A_699, %multiple_of3A_359] : memref<64x1000000xf32, #tpu.memory_space<hbm>> -> memref<64x128xf32, #tpu.memory_space<hbm>>
      tpu.wait_dma2 semaphore(%arg18 : memref<!tpu.dma_semaphore, #tpu.memory_space<semaphore_mem>>) src(%dma_wait3A_700 : memref<64x128xf32, #tpu.memory_space<hbm>>) dst(%arg13 : memref<64x128xf32, #tpu.memory_space<vmem>>)
      %add3A_701 = arith.constant 0 : i32
      %add3A_702 = vector.broadcast %add3A_701 : i32 to vector<16xi32>
      %add3A_703 = arith.addi %iota3A, %add3A_702 : vector<16xi32>
      %gather3A_704 = tpu.vector_load_idx %arg13[%add3A_703, %broadcast_in_dim3A_688] : memref<64x128xf32, #tpu.memory_space<vmem>>[vector<16xi32>, vector<16xi32>], vector<16xf32>,
      %gather3A_705 = tpu.vector_load_idx %arg7[%add3A_703, %broadcast_in_dim3A_696] : memref<64x256xf32, #tpu.memory_space<vmem>>[vector<16xi32>, vector<16xi32>], vector<16xf32>,
      %add3A_706 = arith.addf %gather3A_704, %gather3A_705 : vector<16xf32>
      tpu.vector_store_idx %arg8[%add3A_703, %broadcast_in_dim3A_691], %add3A_706 : memref<64x256xf32, #tpu.memory_space<vmem>>[vector<16xi32>, vector<16xi32>], vector<16xf32>,
      %add3A_707 = arith.constant 16 : i32
      %add3A_708 = vector.broadcast %add3A_707 : i32 to vector<16xi32>
      %add3A_709 = arith.addi %iota3A, %add3A_708 : vector<16xi32>
      %gather3A_710 = tpu.vector_load_idx %arg13[%add3A_709, %broadcast_in_dim3A_688] : memref<64x128xf32, #tpu.memory_space<vmem>>[vector<16xi32>, vector<16xi32>], vector<16xf32>,
      %gather3A_711 = tpu.vector_load_idx %arg7[%add3A_709, %broadcast_in_dim3A_696] : memref<64x256xf32, #tpu.memory_space<vmem>>[vector<16xi32>, vector<16xi32>], vector<16xf32>,
      %add3A_712 = arith.addf %gather3A_710, %gather3A_711 : vector<16xf32>
      tpu.vector_store_idx %arg8[%add3A_709, %broadcast_in_dim3A_691], %add3A_712 : memref<64x256xf32, #tpu.memory_space<vmem>>[vector<16xi32>, vector<16xi32>], vector<16xf32>,
      %add3A_713 = arith.constant 32 : i32
      %add3A_714 = vector.broadcast %add3A_713 : i32 to vector<16xi32>
      %add3A_715 = arith.addi %iota3A, %add3A_714 : vector<16xi32>
      %gather3A_716 = tpu.vector_load_idx %arg13[%add3A_715, %broadcast_in_dim3A_688] : memref<64x128xf32, #tpu.memory_space<vmem>>[vector<16xi32>, vector<16xi32>], vector<16xf32>,
      %gather3A_717 = tpu.vector_load_idx %arg7[%add3A_715, %broadcast_in_dim3A_696] : memref<64x256xf32, #tpu.memory_space<vmem>>[vector<16xi32>, vector<16xi32>], vector<16xf32>,
      %add3A_718 = arith.addf %gather3A_716, %gather3A_717 : vector<16xf32>
      tpu.vector_store_idx %arg8[%add3A_715, %broadcast_in_dim3A_691], %add3A_718 : memref<64x256xf32, #tpu.memory_space<vmem>>[vector<16xi32>, vector<16xi32>], vector<16xf32>,
      %add3A_719 = arith.constant 48 : i32
      %add3A_720 = vector.broadcast %add3A_719 : i32 to vector<16xi32>
      %add3A_721 = arith.addi %iota3A, %add3A_720 : vector<16xi32>
      %gather3A_722 = tpu.vector_load_idx %arg13[%add3A_721, %broadcast_in_dim3A_688] : memref<64x128xf32, #tpu.memory_space<vmem>>[vector<16xi32>, vector<16xi32>], vector<16xf32>,
      %gather3A_723 = tpu.vector_load_idx %arg7[%add3A_721, %broadcast_in_dim3A_696] : memref<64x256xf32, #tpu.memory_space<vmem>>[vector<16xi32>, vector<16xi32>], vector<16xf32>,
      %add3A_724 = arith.addf %gather3A_722, %gather3A_723 : vector<16xf32>
      tpu.vector_store_idx %arg8[%add3A_721, %broadcast_in_dim3A_691], %add3A_724 : memref<64x256xf32, #tpu.memory_space<vmem>>[vector<16xi32>, vector<16xi32>], vector<16xf32>,
      %slice3A_725 = vector.extract_strided_slice %get3A_20 {offsets = [13], sizes = [1], strides = [1]} : vector<16xi32> to vector<1xi32>
      %squeeze3A_726 = vector.extract %slice3A_725[0] : i32 from vector<1xi32>
      %and3A_727 = arith.constant 127 : i32
      %and3A_728 = arith.andi %squeeze3A_726, %and3A_727 : i32
      %broadcast_in_dim3A_729 = vector.broadcast %and3A_728 : i32 to vector<16xi32>
      %add3A_730 = arith.constant 13 : i32
      %add3A_731 = arith.addi %mul3A_22, %add3A_730 : i32
      %broadcast_in_dim3A_732 = vector.broadcast %add3A_731 : i32 to vector<16xi32>
      %add3A_733 = arith.constant 13 : i32
      %add3A_734 = arith.addi %mul3A_22, %add3A_733 : i32
      %sub3A_735 = arith.constant 255 : i32
      %sub3A_736 = arith.subi %sub3A_735, %add3A_734 : i32
      %broadcast_in_dim3A_737 = vector.broadcast %sub3A_736 : i32 to vector<16xi32>
      %dma_wait3A_738 = arith.constant 0 : i32
      %dma_wait3A_739 = tpu.memref_slice %arg3[%dma_wait3A_738, %multiple_of3A_411] : memref<64x1000000xf32, #tpu.memory_space<hbm>> -> memref<64x128xf32, #tpu.memory_space<hbm>>
      %dma_wait3A_740 = arith.constant 0 : i32
      %dma_wait3A_741 = tpu.memref_slice %arg3[%dma_wait3A_740, %multiple_of3A_411] : memref<64x1000000xf32, #tpu.memory_space<hbm>> -> memref<64x128xf32, #tpu.memory_space<hbm>>
      tpu.wait_dma2 semaphore(%arg18 : memref<!tpu.dma_semaphore, #tpu.memory_space<semaphore_mem>>) src(%dma_wait3A_741 : memref<64x128xf32, #tpu.memory_space<hbm>>) dst(%arg14 : memref<64x128xf32, #tpu.memory_space<vmem>>)
      %add3A_742 = arith.constant 0 : i32
      %add3A_743 = vector.broadcast %add3A_742 : i32 to vector<16xi32>
      %add3A_744 = arith.addi %iota3A, %add3A_743 : vector<16xi32>
      %gather3A_745 = tpu.vector_load_idx %arg14[%add3A_744, %broadcast_in_dim3A_729] : memref<64x128xf32, #tpu.memory_space<vmem>>[vector<16xi32>, vector<16xi32>], vector<16xf32>,
      %gather3A_746 = tpu.vector_load_idx %arg7[%add3A_744, %broadcast_in_dim3A_737] : memref<64x256xf32, #tpu.memory_space<vmem>>[vector<16xi32>, vector<16xi32>], vector<16xf32>,
      %add3A_747 = arith.addf %gather3A_745, %gather3A_746 : vector<16xf32>
      tpu.vector_store_idx %arg8[%add3A_744, %broadcast_in_dim3A_732], %add3A_747 : memref<64x256xf32, #tpu.memory_space<vmem>>[vector<16xi32>, vector<16xi32>], vector<16xf32>,
      %add3A_748 = arith.constant 16 : i32
      %add3A_749 = vector.broadcast %add3A_748 : i32 to vector<16xi32>
      %add3A_750 = arith.addi %iota3A, %add3A_749 : vector<16xi32>
      %gather3A_751 = tpu.vector_load_idx %arg14[%add3A_750, %broadcast_in_dim3A_729] : memref<64x128xf32, #tpu.memory_space<vmem>>[vector<16xi32>, vector<16xi32>], vector<16xf32>,
      %gather3A_752 = tpu.vector_load_idx %arg7[%add3A_750, %broadcast_in_dim3A_737] : memref<64x256xf32, #tpu.memory_space<vmem>>[vector<16xi32>, vector<16xi32>], vector<16xf32>,
      %add3A_753 = arith.addf %gather3A_751, %gather3A_752 : vector<16xf32>
      tpu.vector_store_idx %arg8[%add3A_750, %broadcast_in_dim3A_732], %add3A_753 : memref<64x256xf32, #tpu.memory_space<vmem>>[vector<16xi32>, vector<16xi32>], vector<16xf32>,
      %add3A_754 = arith.constant 32 : i32
      %add3A_755 = vector.broadcast %add3A_754 : i32 to vector<16xi32>
      %add3A_756 = arith.addi %iota3A, %add3A_755 : vector<16xi32>
      %gather3A_757 = tpu.vector_load_idx %arg14[%add3A_756, %broadcast_in_dim3A_729] : memref<64x128xf32, #tpu.memory_space<vmem>>[vector<16xi32>, vector<16xi32>], vector<16xf32>,
      %gather3A_758 = tpu.vector_load_idx %arg7[%add3A_756, %broadcast_in_dim3A_737] : memref<64x256xf32, #tpu.memory_space<vmem>>[vector<16xi32>, vector<16xi32>], vector<16xf32>,
      %add3A_759 = arith.addf %gather3A_757, %gather3A_758 : vector<16xf32>
      tpu.vector_store_idx %arg8[%add3A_756, %broadcast_in_dim3A_732], %add3A_759 : memref<64x256xf32, #tpu.memory_space<vmem>>[vector<16xi32>, vector<16xi32>], vector<16xf32>,
      %add3A_760 = arith.constant 48 : i32
      %add3A_761 = vector.broadcast %add3A_760 : i32 to vector<16xi32>
      %add3A_762 = arith.addi %iota3A, %add3A_761 : vector<16xi32>
      %gather3A_763 = tpu.vector_load_idx %arg14[%add3A_762, %broadcast_in_dim3A_729] : memref<64x128xf32, #tpu.memory_space<vmem>>[vector<16xi32>, vector<16xi32>], vector<16xf32>,
      %gather3A_764 = tpu.vector_load_idx %arg7[%add3A_762, %broadcast_in_dim3A_737] : memref<64x256xf32, #tpu.memory_space<vmem>>[vector<16xi32>, vector<16xi32>], vector<16xf32>,
      %add3A_765 = arith.addf %gather3A_763, %gather3A_764 : vector<16xf32>
      tpu.vector_store_idx %arg8[%add3A_762, %broadcast_in_dim3A_732], %add3A_765 : memref<64x256xf32, #tpu.memory_space<vmem>>[vector<16xi32>, vector<16xi32>], vector<16xf32>,
      %slice3A_766 = vector.extract_strided_slice %get3A_20 {offsets = [14], sizes = [1], strides = [1]} : vector<16xi32> to vector<1xi32>
      %squeeze3A_767 = vector.extract %slice3A_766[0] : i32 from vector<1xi32>
      %and3A_768 = arith.constant 127 : i32
      %and3A_769 = arith.andi %squeeze3A_767, %and3A_768 : i32
      %broadcast_in_dim3A_770 = vector.broadcast %and3A_769 : i32 to vector<16xi32>
      %add3A_771 = arith.constant 14 : i32
      %add3A_772 = arith.addi %mul3A_22, %add3A_771 : i32
      %broadcast_in_dim3A_773 = vector.broadcast %add3A_772 : i32 to vector<16xi32>
      %add3A_774 = arith.constant 14 : i32
      %add3A_775 = arith.addi %mul3A_22, %add3A_774 : i32
      %sub3A_776 = arith.constant 255 : i32
      %sub3A_777 = arith.subi %sub3A_776, %add3A_775 : i32
      %broadcast_in_dim3A_778 = vector.broadcast %sub3A_777 : i32 to vector<16xi32>
      %dma_wait3A_779 = arith.constant 0 : i32
      %dma_wait3A_780 = tpu.memref_slice %arg3[%dma_wait3A_779, %multiple_of3A_463] : memref<64x1000000xf32, #tpu.memory_space<hbm>> -> memref<64x128xf32, #tpu.memory_space<hbm>>
      %dma_wait3A_781 = arith.constant 0 : i32
      %dma_wait3A_782 = tpu.memref_slice %arg3[%dma_wait3A_781, %multiple_of3A_463] : memref<64x1000000xf32, #tpu.memory_space<hbm>> -> memref<64x128xf32, #tpu.memory_space<hbm>>
      tpu.wait_dma2 semaphore(%arg18 : memref<!tpu.dma_semaphore, #tpu.memory_space<semaphore_mem>>) src(%dma_wait3A_782 : memref<64x128xf32, #tpu.memory_space<hbm>>) dst(%arg15 : memref<64x128xf32, #tpu.memory_space<vmem>>)
      %add3A_783 = arith.constant 0 : i32
      %add3A_784 = vector.broadcast %add3A_783 : i32 to vector<16xi32>
      %add3A_785 = arith.addi %iota3A, %add3A_784 : vector<16xi32>
      %gather3A_786 = tpu.vector_load_idx %arg15[%add3A_785, %broadcast_in_dim3A_770] : memref<64x128xf32, #tpu.memory_space<vmem>>[vector<16xi32>, vector<16xi32>], vector<16xf32>,
      %gather3A_787 = tpu.vector_load_idx %arg7[%add3A_785, %broadcast_in_dim3A_778] : memref<64x256xf32, #tpu.memory_space<vmem>>[vector<16xi32>, vector<16xi32>], vector<16xf32>,
      %add3A_788 = arith.addf %gather3A_786, %gather3A_787 : vector<16xf32>
      tpu.vector_store_idx %arg8[%add3A_785, %broadcast_in_dim3A_773], %add3A_788 : memref<64x256xf32, #tpu.memory_space<vmem>>[vector<16xi32>, vector<16xi32>], vector<16xf32>,
      %add3A_789 = arith.constant 16 : i32
      %add3A_790 = vector.broadcast %add3A_789 : i32 to vector<16xi32>
      %add3A_791 = arith.addi %iota3A, %add3A_790 : vector<16xi32>
      %gather3A_792 = tpu.vector_load_idx %arg15[%add3A_791, %broadcast_in_dim3A_770] : memref<64x128xf32, #tpu.memory_space<vmem>>[vector<16xi32>, vector<16xi32>], vector<16xf32>,
      %gather3A_793 = tpu.vector_load_idx %arg7[%add3A_791, %broadcast_in_dim3A_778] : memref<64x256xf32, #tpu.memory_space<vmem>>[vector<16xi32>, vector<16xi32>], vector<16xf32>,
      %add3A_794 = arith.addf %gather3A_792, %gather3A_793 : vector<16xf32>
      tpu.vector_store_idx %arg8[%add3A_791, %broadcast_in_dim3A_773], %add3A_794 : memref<64x256xf32, #tpu.memory_space<vmem>>[vector<16xi32>, vector<16xi32>], vector<16xf32>,
      %add3A_795 = arith.constant 32 : i32
      %add3A_796 = vector.broadcast %add3A_795 : i32 to vector<16xi32>
      %add3A_797 = arith.addi %iota3A, %add3A_796 : vector<16xi32>
      %gather3A_798 = tpu.vector_load_idx %arg15[%add3A_797, %broadcast_in_dim3A_770] : memref<64x128xf32, #tpu.memory_space<vmem>>[vector<16xi32>, vector<16xi32>], vector<16xf32>,
      %gather3A_799 = tpu.vector_load_idx %arg7[%add3A_797, %broadcast_in_dim3A_778] : memref<64x256xf32, #tpu.memory_space<vmem>>[vector<16xi32>, vector<16xi32>], vector<16xf32>,
      %add3A_800 = arith.addf %gather3A_798, %gather3A_799 : vector<16xf32>
      tpu.vector_store_idx %arg8[%add3A_797, %broadcast_in_dim3A_773], %add3A_800 : memref<64x256xf32, #tpu.memory_space<vmem>>[vector<16xi32>, vector<16xi32>], vector<16xf32>,
      %add3A_801 = arith.constant 48 : i32
      %add3A_802 = vector.broadcast %add3A_801 : i32 to vector<16xi32>
      %add3A_803 = arith.addi %iota3A, %add3A_802 : vector<16xi32>
      %gather3A_804 = tpu.vector_load_idx %arg15[%add3A_803, %broadcast_in_dim3A_770] : memref<64x128xf32, #tpu.memory_space<vmem>>[vector<16xi32>, vector<16xi32>], vector<16xf32>,
      %gather3A_805 = tpu.vector_load_idx %arg7[%add3A_803, %broadcast_in_dim3A_778] : memref<64x256xf32, #tpu.memory_space<vmem>>[vector<16xi32>, vector<16xi32>], vector<16xf32>,
      %add3A_806 = arith.addf %gather3A_804, %gather3A_805 : vector<16xf32>
      tpu.vector_store_idx %arg8[%add3A_803, %broadcast_in_dim3A_773], %add3A_806 : memref<64x256xf32, #tpu.memory_space<vmem>>[vector<16xi32>, vector<16xi32>], vector<16xf32>,
      %slice3A_807 = vector.extract_strided_slice %get3A_20 {offsets = [15], sizes = [1], strides = [1]} : vector<16xi32> to vector<1xi32>
      %squeeze3A_808 = vector.extract %slice3A_807[0] : i32 from vector<1xi32>
      %and3A_809 = arith.constant 127 : i32
      %and3A_810 = arith.andi %squeeze3A_808, %and3A_809 : i32
      %broadcast_in_dim3A_811 = vector.broadcast %and3A_810 : i32 to vector<16xi32>
      %add3A_812 = arith.constant 15 : i32
      %add3A_813 = arith.addi %mul3A_22, %add3A_812 : i32
      %broadcast_in_dim3A_814 = vector.broadcast %add3A_813 : i32 to vector<16xi32>
      %add3A_815 = arith.constant 15 : i32
      %add3A_816 = arith.addi %mul3A_22, %add3A_815 : i32
      %sub3A_817 = arith.constant 255 : i32
      %sub3A_818 = arith.subi %sub3A_817, %add3A_816 : i32
      %broadcast_in_dim3A_819 = vector.broadcast %sub3A_818 : i32 to vector<16xi32>
      %dma_wait3A_820 = arith.constant 0 : i32
      %dma_wait3A_821 = tpu.memref_slice %arg3[%dma_wait3A_820, %multiple_of3A_515] : memref<64x1000000xf32, #tpu.memory_space<hbm>> -> memref<64x128xf32, #tpu.memory_space<hbm>>
      %dma_wait3A_822 = arith.constant 0 : i32
      %dma_wait3A_823 = tpu.memref_slice %arg3[%dma_wait3A_822, %multiple_of3A_515] : memref<64x1000000xf32, #tpu.memory_space<hbm>> -> memref<64x128xf32, #tpu.memory_space<hbm>>
      tpu.wait_dma2 semaphore(%arg18 : memref<!tpu.dma_semaphore, #tpu.memory_space<semaphore_mem>>) src(%dma_wait3A_823 : memref<64x128xf32, #tpu.memory_space<hbm>>) dst(%arg16 : memref<64x128xf32, #tpu.memory_space<vmem>>)
      %add3A_824 = arith.constant 0 : i32
      %add3A_825 = vector.broadcast %add3A_824 : i32 to vector<16xi32>
      %add3A_826 = arith.addi %iota3A, %add3A_825 : vector<16xi32>
      %gather3A_827 = tpu.vector_load_idx %arg16[%add3A_826, %broadcast_in_dim3A_811] : memref<64x128xf32, #tpu.memory_space<vmem>>[vector<16xi32>, vector<16xi32>], vector<16xf32>,
      %gather3A_828 = tpu.vector_load_idx %arg7[%add3A_826, %broadcast_in_dim3A_819] : memref<64x256xf32, #tpu.memory_space<vmem>>[vector<16xi32>, vector<16xi32>], vector<16xf32>,
      %add3A_829 = arith.addf %gather3A_827, %gather3A_828 : vector<16xf32>
      tpu.vector_store_idx %arg8[%add3A_826, %broadcast_in_dim3A_814], %add3A_829 : memref<64x256xf32, #tpu.memory_space<vmem>>[vector<16xi32>, vector<16xi32>], vector<16xf32>,
      %add3A_830 = arith.constant 16 : i32
      %add3A_831 = vector.broadcast %add3A_830 : i32 to vector<16xi32>
      %add3A_832 = arith.addi %iota3A, %add3A_831 : vector<16xi32>
      %gather3A_833 = tpu.vector_load_idx %arg16[%add3A_832, %broadcast_in_dim3A_811] : memref<64x128xf32, #tpu.memory_space<vmem>>[vector<16xi32>, vector<16xi32>], vector<16xf32>,
      %gather3A_834 = tpu.vector_load_idx %arg7[%add3A_832, %broadcast_in_dim3A_819] : memref<64x256xf32, #tpu.memory_space<vmem>>[vector<16xi32>, vector<16xi32>], vector<16xf32>,
      %add3A_835 = arith.addf %gather3A_833, %gather3A_834 : vector<16xf32>
      tpu.vector_store_idx %arg8[%add3A_832, %broadcast_in_dim3A_814], %add3A_835 : memref<64x256xf32, #tpu.memory_space<vmem>>[vector<16xi32>, vector<16xi32>], vector<16xf32>,
      %add3A_836 = arith.constant 32 : i32
      %add3A_837 = vector.broadcast %add3A_836 : i32 to vector<16xi32>
      %add3A_838 = arith.addi %iota3A, %add3A_837 : vector<16xi32>
      %gather3A_839 = tpu.vector_load_idx %arg16[%add3A_838, %broadcast_in_dim3A_811] : memref<64x128xf32, #tpu.memory_space<vmem>>[vector<16xi32>, vector<16xi32>], vector<16xf32>,
      %gather3A_840 = tpu.vector_load_idx %arg7[%add3A_838, %broadcast_in_dim3A_819] : memref<64x256xf32, #tpu.memory_space<vmem>>[vector<16xi32>, vector<16xi32>], vector<16xf32>,
      %add3A_841 = arith.addf %gather3A_839, %gather3A_840 : vector<16xf32>
      tpu.vector_store_idx %arg8[%add3A_838, %broadcast_in_dim3A_814], %add3A_841 : memref<64x256xf32, #tpu.memory_space<vmem>>[vector<16xi32>, vector<16xi32>], vector<16xf32>,
      %add3A_842 = arith.constant 48 : i32
      %add3A_843 = vector.broadcast %add3A_842 : i32 to vector<16xi32>
      %add3A_844 = arith.addi %iota3A, %add3A_843 : vector<16xi32>
      %gather3A_845 = tpu.vector_load_idx %arg16[%add3A_844, %broadcast_in_dim3A_811] : memref<64x128xf32, #tpu.memory_space<vmem>>[vector<16xi32>, vector<16xi32>], vector<16xf32>,
      %gather3A_846 = tpu.vector_load_idx %arg7[%add3A_844, %broadcast_in_dim3A_819] : memref<64x256xf32, #tpu.memory_space<vmem>>[vector<16xi32>, vector<16xi32>], vector<16xf32>,
      %add3A_847 = arith.addf %gather3A_845, %gather3A_846 : vector<16xf32>
      tpu.vector_store_idx %arg8[%add3A_844, %broadcast_in_dim3A_814], %add3A_847 : memref<64x256xf32, #tpu.memory_space<vmem>>[vector<16xi32>, vector<16xi32>], vector<16xf32>,
    }
    %scan3A_16 = arith.constant 16 : i32
    "tpu.region"() ({
      %run_scoped3A = tpu.sem_alloc : memref<!tpu.dma_semaphore, #tpu.memory_space<semaphore_mem>>
      %dma_start3A_17 = arith.constant 0 : i32
      %dma_start3A_18 = tpu.memref_slice %arg5[%dma_start3A_17, %mul3A_2] : memref<64x8192xf32, #tpu.memory_space<hbm>> -> memref<64x256xf32, #tpu.memory_space<hbm>>
      %dma_start3A_19 = arith.constant 0 : i32
      %dma_start3A_20 = tpu.memref_slice %arg5[%dma_start3A_19, %mul3A_2] : memref<64x8192xf32, #tpu.memory_space<hbm>> -> memref<64x256xf32, #tpu.memory_space<hbm>>
      tpu.enqueue_dma source(%arg8 : memref<64x256xf32, #tpu.memory_space<vmem>>) target(%dma_start3A_20 : memref<64x256xf32, #tpu.memory_space<hbm>>) target_semaphore(%run_scoped3A : memref<!tpu.dma_semaphore, #tpu.memory_space<semaphore_mem>>)
      %dma_wait3A_21 = arith.constant 0 : i32
      %dma_wait3A_22 = tpu.memref_slice %arg5[%dma_wait3A_21, %mul3A_2] : memref<64x8192xf32, #tpu.memory_space<hbm>> -> memref<64x256xf32, #tpu.memory_space<hbm>>
      %dma_wait3A_23 = arith.constant 0 : i32
      %dma_wait3A_24 = tpu.memref_slice %arg5[%dma_wait3A_23, %mul3A_2] : memref<64x8192xf32, #tpu.memory_space<hbm>> -> memref<64x256xf32, #tpu.memory_space<hbm>>
      tpu.wait_dma2 semaphore(%run_scoped3A : memref<!tpu.dma_semaphore, #tpu.memory_space<semaphore_mem>>) src(%arg8 : memref<64x256xf32, #tpu.memory_space<vmem>>) dst(%dma_wait3A_24 : memref<64x256xf32, #tpu.memory_space<hbm>>)
      tpu.yield
    }) : () -> ()
    return
  }
}

</mosaic_0001>

<sc_bundles>
// kernel: kernel.3.cloned.1.call-start
scs
__scs_entry_jumppad:
0x0: {  	(pc) =	sbr.rel $0x88, $3  }
0x1: {  	(tag) =	ssettag $0x0;
	lr =	simm.s32 $0x1  }
0x2: {  	[smem:$0x3F9E] =	sst lr;
	_ =	strace $0xD0000000  }
0x3: {  	_ = 	snop  }
0x4: {  	_ = 	snop  }
0x5: {  	_ = 	snop  }
0x6: {  	_ = 	snop  }
0x7: {  	_ = 	snop  }
__scs_overlays_trampoline_lowered:
0x8: {  	[smem:$0x3FAD] =	sst s0  }
0x9: {  	[smem:$0x3FAE] =	sst s1  }
0xa: {  	[smem:$0x3FAF] =	sst s2  }
0xb: {  	[smem:$0x3FB0] =	sst s3  }
0xc: {  	[smem:$0x3FB1] =	sst s4  }
0xd: {  	[smem:$0x3FB2] =	sst s5  }
0xe: {  	[smem:$0x3FB3] =	sst s6  }
0xf: {  	[smem:$0x3FB4] =	sst s7  }
0x10: {  	[smem:$0x3FB5] =	sst s8  }
0x11: {  	[smem:$0x3FB6] =	sst s9;
	s0 =	simm.s32 @!p0 $0x0  }
0x12: {  	s1 =	sld [smem:$0x3F9C];
	s0 =	simm.s32 @p0 $0x1  }
0x13: {  	[smem:$0x3FB7] =	sst s0;
	s0 =	simm.s32 @!p1 $0x0  }
0x14: {  	s2 =	sld [smem:$0x3F9B];
	s0 =	simm.s32 @p1 $0x1  }
0x15: {  	[smem:$0x3FB8] =	sst s0;
	s0 =	simm.s32 @!p2 $0x0  }
0x16: {  	s3 =	sld [smem:$0x3FDB];
	s0 =	simm.s32 @p2 $0x1  }
0x17: {  	s4 =	simm.s32 $0x1BF5;
	[smem:$0x3FBA] =	sst s0  }
0x18: {  	s0 =	sld [smem:$0x3F9D];
	_ =	swait.ge [sflag:s4], $0x0  }
0x19: {  	s7 =	sld [smem:$0x3F9E]  }
0x1a: {  	s8 =	sadd.s32 $0xFFFFE003, lr  }
0x1b: {  	s9 =	sadd.s32 $0xFFFFFEF7, lr;
	s5 =	simm.s32 $0xFFFFFFFF;
	p2 =	slt.u32 s8, $0xFFFFF086  }
0x1c: {  	p1 =	slt.u32 s9, $0xF7A;
	s5 =	simm.s32 @!p2 $0x0  }
0x1d: {  	s5 =	simm.s32 @p1 $0x1;
	p0 =	seq.s32 s7, s2  }
0x1e: {  	s7 =	smul.u32 @!p0 $0xF7A, s2;
	p2 =	seq.s32 @!p0 s5, $0x0  }
0x1f: {  	s9 =	smul.u32 $0xF7A, s1;
	s8 =	simm.s32 @!p0 $0x1BF5;
	p2 =	por !p2, p0  }
0x20: {  	[sflag:s8] =	ssyncset.s32 @!p0 $0xFFFFF086;
	s6 =	sadd.s32 @!p0 s3, s7;
	s7 =	simm.s32 @!p0 $0x108  }
0x21: {  	s3 =	sadd.s32 s3, s9;
	s6 =	sadd.s32 @!p0 $0x88, s6;
	s7 =	simm.s32 @p2 $0x1082  }
0x22: {  	[simem:s7], [sflag:s8] =	dma.local @!p0 [hbm:s6], $0xF7A  }
0x23: {  	s9 =	sor.u32 $0xD0000000, s2;
	s6 =	simm.s32 $0x108;
	_ =	swait.ge @!p0 [sflag:s8], $0x0  }
0x24: {  	s3 =	sadd.s32 $0x88, s3;
	s6 =	simm.s32 @!p1 $0x1082;
	[sflag:s4] =	ssyncset.s32 $0xFFFFF086  }
0x25: {  	[simem:s6], [sflag:s4] =	dma.local [hbm:s3], $0xF7A  }
0x26: {  	[smem:$0x3F9E] =	sst s1;
	(tag) =	ssettag s2;
	_ =	strace s9  }
0x27: {  	s1 =	sld [smem:$0x3FAE]  }
0x28: {  	s2 =	sld [smem:$0x3FAF]  }
0x29: {  	s4 =	sld [smem:$0x3FB1]  }
0x2a: {  	p0 =	seq.s32 s5, $0x0;
	s5 =	sld [smem:$0x3FB2]  }
0x2b: {  	s6 =	sld [smem:$0x3FB3]  }
0x2c: {  	s7 =	sld [smem:$0x3FB4]  }
0x2d: {  	s3 =	simm.s32 $0x108;
	s8 =	sld [smem:$0x3FB5]  }
0x2e: {  	s3 =	simm.s32 @!p0 $0x1082;
	s9 =	sld [smem:$0x3FB6]  }
0x2f: {  	lr =	sadd.s32 s0, s3;
	s0 =	sld [smem:$0x3FAD]  }
0x30: {  	s3 =	sld [smem:$0x3FB0]  }
0x31: {  	[smem:$0x3FB9] =	sst s10  }
0x32: {  	s10 =	sld [smem:$0x3FB7];
	_ =	sdelay $0x3  }
0x33: {  	p0 =	seq.s32 s10, $0x1;
	s10 =	sld [smem:$0x3FB9];
	_ =	sdelay $0x3  }
0x34: {  	[smem:$0x3FB9] =	sst s10  }
0x35: {  	s10 =	sld [smem:$0x3FB8];
	_ =	sdelay $0x3  }
0x36: {  	p1 =	seq.s32 s10, $0x1;
	s10 =	sld [smem:$0x3FB9];
	_ =	sdelay $0x3  }
0x37: {  	[smem:$0x3FB9] =	sst s10  }
0x38: {  	s10 =	sld [smem:$0x3FBA]  }
0x39: {  	_ = 	snop;
	(pc) =	sbr.ind lr, $3  }
0x3a: {  	_ = 	snop  }
0x3b: {  	_ = 	snop  }
0x3c: {  	p2 =	seq.s32 s10, $0x1;
	s10 =	sld [smem:$0x3FB9]  }
0x3d: {  	_ =	shalt  }
0x3e: {  	_ =	shalt  }
0x3f: {  	_ =	shalt  }
0x40: {  	_ =	shalt  }
0x41: {  	_ =	shalt  }
0x42: {  	_ =	shalt  }
0x43: {  	_ =	shalt  }
0x44: {  	_ =	shalt  }
0x45: {  	_ =	shalt  }
0x46: {  	_ =	shalt  }
0x47: {  	_ =	shalt  }
0x48: {  	_ =	shalt  }
0x49: {  	_ =	shalt  }
0x4a: {  	_ =	shalt  }
0x4b: {  	_ =	shalt  }
0x4c: {  	_ =	shalt  }
0x4d: {  	_ =	shalt  }
0x4e: {  	_ =	shalt  }
0x4f: {  	_ =	shalt  }
0x50: {  	_ =	shalt  }
0x51: {  	_ =	shalt  }
0x52: {  	_ =	shalt  }
0x53: {  	_ =	shalt  }
0x54: {  	_ =	shalt  }
0x55: {  	_ =	shalt  }
0x56: {  	_ =	shalt  }
0x57: {  	_ =	shalt  }
0x58: {  	_ =	shalt  }
0x59: {  	_ =	shalt  }
0x5a: {  	_ =	shalt  }
0x5b: {  	_ =	shalt  }
0x5c: {  	_ =	shalt  }
0x5d: {  	_ =	shalt  }
0x5e: {  	_ =	shalt  }
0x5f: {  	_ =	shalt  }
0x60: {  	_ =	shalt  }
0x61: {  	_ =	shalt  }
0x62: {  	_ =	shalt  }
0x63: {  	_ =	shalt  }
0x64: {  	_ =	shalt  }
0x65: {  	_ =	shalt  }
0x66: {  	_ =	shalt  }
0x67: {  	_ =	shalt  }
0x68: {  	_ =	shalt  }
0x69: {  	_ =	shalt  }
0x6a: {  	_ =	shalt  }
0x6b: {  	_ =	shalt  }
0x6c: {  	_ =	shalt  }
0x6d: {  	_ =	shalt  }
0x6e: {  	_ =	shalt  }
0x6f: {  	_ =	shalt  }
0x70: {  	_ =	shalt  }
0x71: {  	_ =	shalt  }
0x72: {  	_ =	shalt  }
0x73: {  	_ =	shalt  }
0x74: {  	_ =	shalt  }
0x75: {  	_ =	shalt  }
0x76: {  	_ =	shalt  }
0x77: {  	_ =	shalt  }
0x78: {  	_ =	shalt  }
0x79: {  	_ =	shalt  }
0x7a: {  	_ =	shalt  }
0x7b: {  	_ =	shalt  }
0x7c: {  	_ =	shalt  }
0x7d: {  	_ =	shalt  }
0x7e: {  	_ =	shalt  }
0x7f: {  	_ =	shalt  }
0x80: {  	_ =	shalt  }
0x81: {  	_ =	shalt  }
0x82: {  	_ =	shalt  }
0x83: {  	_ =	shalt  }
0x84: {  	_ =	shalt  }
0x85: {  	_ =	shalt  }
0x86: {  	_ =	shalt  }
0x87: {  	_ =	shalt  }
.Lfunc_end0:
.L_simem_size_0:
called_computation_lowered:
.L_overlay_start_0:
0x88: {  	s2 =	sld [smem:$0x3FD9]  }
0x89: {  	s3 =	sld [smem:$0x3FFE];
	_ =	sdelay $0x1  }
0x8a: {  	s1 =	srdreg.scid  }
0x8b: {  	s0 =	sand.u32 $0x1, s1  }
0x8c: {  	s18 =	sshll.u32 s0, $0xA;
	s2 =	sadd.s32 s3, s2  }
0x8d: {  	s2 =	sadd.s32 s2, s18  }
0x8e: {  	[smem:$0x3FC5] =	sst s2  }
0x8f: {  	_ = 	snop  }
0x90: {  	s2 =	sld [smem:$0x3FC9]  }
0x91: {  	s19 =	sld [smem:$0x3FC8]  }
0x92: {  	s4 =	sld [smem:$0x3FC7]  }
0x93: {  	s5 =	sld [smem:$0x3FD0];
	(tm) =	ssettm $0x1  }
0x94: {  	s6 =	sld [smem:$0x3FFB];
	_ =	sdelay $0x3  }
0x95: {  	_ =	strace s6  }
0x96: {  	s6 =	sld [smem:$0x3FFC];
	_ =	sdelay $0x3  }
0x97: {  	_ =	strace s6  }
0x98: {  	s6 =	sld [smem:$0x3FFD];
	_ =	sdelay $0x3  }
0x99: {  	_ =	strace s6  }
0x9a: {  	_ =	strace $0x8FFFFFFF  }
0x9b: {  	s20 =	sld [smem:$0x3FDB];
	_ =	sdelay $0x1  }
0x9c: {  	s7 =	simm.s32 $_scs_section_size  }
0x9d: {  	s8 =	simm.s32 $_size__tile_overlayer_lowered;
	s9 =	simm.s32 $_tile_overlayer_lowered  }
0x9e: {  	s23 =	simm.s32 $0x1BFF;
	s22 =	sshll.u32 s9, $0x1;
	s6 =	sadd.s32 s7, s20  }
0x9f: {  	s10 =	simm.s32 $0x0;
	s21 =	sshll.u32 s8, $0x1;
	s8 =	sadd.s32 s22, s6  }
0xa0: {  	[timem:s10], [sflag:s23] =	dma.local [hbm:s8], s21  }
0xa1: {  	_ =	swait.ge [sflag:s23], s21  }
0xa2: {  	s7 =	ssub.s32 $0x0, s21;
	[sflag:s23] =	ssyncset.done $0x0  }
0xa3: {  	[sflag:s23] =	ssyncadd.s32 s7;
	_ =	sdelay $0x1  }
0xa4: {  	s24 =	simm.s32 $0x1B8B  }
0xa5: {  	_ =	swait.ge [sflag:s24], $0x1  }
0xa6: {  	[sflag:s24] =	ssyncset.done $0x0  }
0xa7: {  	s25 =	simm.s32 $0x1B8E;
	[sflag:s24] =	ssyncadd.s32 $0xFFFFFFFF  }
0xa8: {  	s26 =	simm.s32 $execute0_lowered;
	[smem:$0x3FD2] =	sst s25  }
0xa9: {  	s7 =	sshll.u32 s26, $0x1;
	_ =	strace $0x80000046;
	[dreg:$0x1] =	wrdreg $0xFFFFFFFF  }
0xaa: {  	s28 =	simm.s32 $_size_execute0_lowered;
	s6 =	sadd.s32 s6, s7;
	[dreg:$0x0] =	wrdreg $0x0  }
0xab: {  	s7 =	sshll.u32 s28, $0x1;
	[dreg:$0x2] =	wrdreg s6  }
0xac: {  	[dreg:$0x3] =	wrdreg s7  }
0xad: {  	[dreg:$0x4] =	wrdreg $0xC0  }
0xae: {  	_ =	task [dreg:s10], $0x5FFFF  }
0xaf: {  	[dreg:$0x1] =	wrdreg $0xFFFFFFFF  }
0xb0: {  	[dreg:$0x0] =	wrdreg $0x60  }
0xb1: {  	[dreg:$0x2] =	wrdreg s2  }
0xb2: {  	[dreg:$0x3] =	wrdreg s19  }
0xb3: {  	[dreg:$0x4] =	wrdreg s4  }
0xb4: {  	[dreg:$0x5] =	wrdreg s5  }
0xb5: {  	[dreg:$0x6] =	wrdreg $0x9  }
0xb6: {  	_ =	task.clear_ibuf [dreg:s10], $0x7FFFF;
	_ =	strace $0x90000046  }
0xb7: {  	s29 =	simm.s32 $0x9;
	_ =	strace $0x80000048  }
0xb8: {  	_ =	swait.ge [sflag:s29], $0x1  }
0xb9: {  	[sflag:s29] =	ssyncadd.s32 $0xFFFFFFFF  }
0xba: {  	_ =	strace $0x90000048  }
0xbb: {  	_ =	sfence  }
0xbc: {  	s30 =	sld [smem:$0x0];
	_ =	sdelay $0x2  }
0xbd: {  	s31 =	sshll.u32 s1, $0xD;
	s1 =	sshrl.u32 s1, $0x2  }
0xbe: {  	s3 =	sand.u32 $0x4000, s31;
	s1 =	sadd.s32 s1, s30  }
0xbf: {  	s0 =	sor.u32 s3, s0;
	s1 =	sshll.u32 s1, $0x11  }
0xc0: {  	s0 =	sor.u32 s1, s0  }
0xc1: {  	s0 =	sadd.s32 $0x8F2B, s0  }
0xc2: {  	[sflag:s0] =	ssyncadd.remote.s32 $0x1  }
0xc3: {  	_ =	sfence.sel $0xFFFF  }
0xc4: {  	[dreg:$0x0] =	wrdreg $0xFFFFFFFF;
	(pc) =	sbr.abs _section_cstart, $3  }
0xc5: {  	[dreg:$0x1] =	wrdreg $0xFFFFFFFF  }
0xc6: {  	_ =	task.clear_ibuf [dreg:s10], $0x2FFFF;
	_ =	strace $0x9FFFFFFF  }
0xc7: {  	(tm) =	ssettm $0x7FFFFFFF  }
tec
execute0_lowered:
.L_overlay_start_1:
0x0: {  	(tag) =	ssettag $0x1  }
0x1: {  	v0 =	vimm.s32 $0xB80;
	vm14 =	vcmask $0x300;
	vm13 =	vcmask $0x704  }
0x2: {  	vm12 =	vcmask $0xB08;
	vm11 =	vcmask $0xF0C;
	vm10 =	vcmask $0x1310  }
0x3: {  	vm9 =	vcmask $0x1714;
	vm8 =	vcmask $0x1B18;
	vm7 =	vcmask $0x1F1C  }
0x4: {  	vm6 =	vcmask $0x2320;
	vm5 =	vcmask $0x2724;
	vm4 =	vcmask $0x2B28  }
0x5: {  	vm3 =	vcmask $0x2F2C;
	v1 =	vlaneseq.u32;
	vm2 =	vcmask $0x3330  }
0x6: {  	vm1 =	vcmask $0x3734;
	vm0 =	vcmask $0x3B38;
	v3 =	vimm.s32 $0x1B80  }
0x7: {  	v4 =	vimm.s32 $0x2B80;
	v5 =	vimm.s32 $0x3B80;
	v0 =	vsel vm14, $0x0, v0  }
0x8: {  	v3 =	vsel vm14, $0x1000, v3;
	v4 =	vsel vm14, $0x2000, v4;
	v5 =	vsel vm14, $0x3000, v5  }
0x9: {  	v0 =	vsel vm13, $0x80, v0;
	v3 =	vsel vm13, $0x1080, v3;
	v4 =	vsel vm13, $0x2080, v4  }
0xa: {  	v5 =	vsel vm13, $0x3080, v5;
	v0 =	vsel vm12, $0x100, v0;
	v3 =	vsel vm12, $0x1100, v3  }
0xb: {  	v4 =	vsel vm12, $0x2100, v4;
	v5 =	vsel vm12, $0x3100, v5;
	v0 =	vsel vm11, $0x180, v0  }
0xc: {  	s1 =	rddreg [dreg:$0x0];
	v3 =	vsel vm11, $0x1180, v3;
	v4 =	vsel vm11, $0x2180, v4;
	v5 =	vsel vm11, $0x3180, v5  }
0xd: {  	s0 =	rddreg [dreg:$0x1];
	v0 =	vsel vm10, $0x200, v0;
	v3 =	vsel vm10, $0x1200, v3;
	v4 =	vsel vm10, $0x2200, v4  }
0xe: {  	s2 =	rddreg [dreg:$0x2];
	v5 =	vsel vm10, $0x3200, v5;
	v0 =	vsel vm9, $0x280, v0;
	v3 =	vsel vm9, $0x1280, v3  }
0xf: {  	s3 =	rddreg [dreg:$0x3];
	v4 =	vsel vm9, $0x2280, v4;
	v5 =	vsel vm9, $0x3280, v5;
	v0 =	vsel vm8, $0x300, v0  }
0x10: {  	s4 =	srdreg.scid;
	s5 =	stileid.u32;
	v3 =	vsel vm8, $0x1300, v3;
	v4 =	vsel vm8, $0x2300, v4;
	v5 =	vsel vm8, $0x3300, v5  }
0x11: {  	s7 =	simm.s32 $0x0;
	s8 =	simm.s32 $0x3;
	s11 =	simm.s32 $0x100;
	v0 =	vsel vm7, $0x380, v0;
	v3 =	vsel vm7, $0x1380, v3;
	v4 =	vsel vm7, $0x2380, v4  }
0x12: {  	s12 =	simm.s32 $0x1;
	s13 =	simm.s32 $0x7A1400;
	s14 =	simm.s32 $0x400;
	v5 =	vsel vm7, $0x3380, v5;
	v0 =	vsel vm6, $0x800, v0;
	v3 =	vsel vm6, $0x1800, v3  }
0x13: {  	s15 =	simm.s32 $0x8100;
	s16 =	simm.s32 $0xA100;
	s17 =	simm.s32 $0xC100;
	v4 =	vsel vm6, $0x2800, v4;
	v5 =	vsel vm6, $0x3800, v5;
	v0 =	vsel vm5, $0x880, v0  }
0x14: {  	s18 =	simm.s32 $0xE100;
	s19 =	simm.s32 $0x10100;
	s20 =	simm.s32 $0x12100;
	v3 =	vsel vm5, $0x1880, v3;
	v4 =	vsel vm5, $0x2880, v4;
	v5 =	vsel vm5, $0x3880, v5  }
0x15: {  	s21 =	simm.s32 $0x14100;
	s22 =	simm.s32 $0x16100;
	s23 =	simm.s32 $0x2;
	v0 =	vsel vm4, $0x900, v0;
	v3 =	vsel vm4, $0x1900, v3;
	v4 =	vsel vm4, $0x2900, v4  }
0x16: {  	s24 =	simm.s32 $0x4100;
	s25 =	simm.s32 $0x0;
	s4 =	sand.u32 $0x1, s4;
	v5 =	vsel vm4, $0x3900, v5;
	v2 =	vsel vm3, $0x980, v0;
	v0 =	vmul.u32 $0x80, v1  }
0x17: {  	s5 =	sshll.u32 s5, $0x9;
	s6 =	sshll.u32 s4, $0x8;
	s4 =	ssub.s32 $0x2, s4;
	v3 =	vsel vm3, $0x1980, v3;
	v4 =	vsel vm3, $0x2980, v4;
	v5 =	vsel vm3, $0x3980, v5  }
0x18: {  	[smem:$0x7FF] =	sst s7;
	s6 =	sor.u32 s6, s5;
	s29 =	sshrl.u32 s4, $0x1;
	v1 =	vsel vm2, $0xA00, v2;
	v3 =	vsel vm2, $0x1A00, v3;
	v6 =	vsel vm2, $0x2A00, v4  }
0x19: {  	_ =	strace $0x80000047;
	s30 =	sshrl.u32 s6, $0x3;
	s4 =	ssub.s32 s4, s29;
	v5 =	vsel vm2, $0x3A00, v5;
	v1 =	vsel vm1, $0xA80, v1;
	v2 =	vor.u32 $0x800, v0  }
0x1a: {  	s31 =	ssub.s32 s2, s6;
	s6 =	sadd.s32 s3, s6;
	s1 =	sadd.s32 s1, s30;
	v3 =	vsel vm1, $0x1A80, v3;
	v4 =	vor.u32 $0x1000, v0;
	v6 =	vsel vm1, $0x2A80, v6  }
0x1b: {  	s3 =	simm.s32 $0x800;
	[dreg:$0x5] =	wrdreg s1;
	s1 =	sadd.s32 $0x1F00, s31;
	v7 =	vsel vm1, $0x3A80, v5;
	v1 =	vsel vm0, $0xB00, v1;
	v3 =	vsel vm0, $0x1B00, v3  }
0x1c: {  	s7 =	smax.u32 s4, $0x1;
	s4 =	simm.s32 $0x10000;
	[dreg:$0x6] =	wrdreg s1;
	v5 =	vsel vm0, $0x2B00, v6;
	v6 =	vor.u32 $0x1800, v0;
	v7 =	vsel vm0, $0x3B00, v7  }
.LBB2_1:
0x1d: {  	s1 =	simm.s32 $0x0;
	s2 =	rddreg [dreg:$0x5]  }
0x1e: {  	[tilespmem:s1], [sflag:$0x3] =	stream.linear.gather [hbm4b:s2+s1], $0x100, $0x38;
	[tilespmem:$0x18100] =	vst v63  }
0x1f: {  	_ =	swait.ge [sflag:s8], $0x100  }
0x20: {  	[sflag:s8] =	ssyncset.done $0x0  }
0x21: {  	s31 =	rddreg [dreg:$0x6];
	[sflag:s8] =	ssyncadd.s32 $0xFFFFFF00  }
0x22: {  	[tilespmem:s11], [sflag:$0x1] =	stream.strided.gather [hbm4b:s31+s3], $0x4000, s4, s3, $0x38;
	[tilespmem:$0x18100] =	vst v63  }
0x23: {  	_ =	swait.ge [sflag:s12], $0x4000  }
0x24: {  	s26 =	simm.s32 $0xF;
	[sflag:s12] =	ssyncset.done $0x0  }
0x25: {  	s28 =	simm.s32 $0xF0;
	s29 =	simm.s32 $0x0;
	[sflag:s12] =	ssyncadd.s32 $0xFFFFC000  }
.LBB2_2:
0x26: {  	v8 =	vld [tilespmem:s29+$0x0];
	_ =	sdelay $0x4  }
0x27: {  	(v2sf) =	vpush v8, $0x0;
	_ =	sdelay $0x3  }
0x28: {  	(v2sf) =	vpush v8, $0x1;
	_ =	sdelay $0x4  }
0x29: {  	(v2sf) =	vpush v8, $0x2  }
0x2a: {  	(v2sf) =	vpush v8, $0x3  }
0x2b: {  	(v2sf) =	vpush v8, $0x4;
	_ =	sdelay $0x3  }
0x2c: {  	s30 =	spop (v2sf)  }
0x2d: {  	s1 =	sand.u32 $0xFFFFF80, s30  }
0x2e: {  	(v2sf) =	vpush v8, $0x5;
	s1 =	sadd.s32 s0, s1  }
0x2f: {  	[tilespmem:s15], [sflag:$0x2] =	stream.strided.gather [hbm4b:s1+s14], $0x2000, s13, s14, $0x38;
	[tilespmem:$0x18100] =	vst v63  }
0x30: {  	s1 =	spop (v2sf);
	(v2sf) =	vpush v8, $0x6;
	_ =	sdelay $0x1  }
0x31: {  	s2 =	sand.u32 $0xFFFFF80, s1  }
0x32: {  	s2 =	sadd.s32 s0, s2  }
0x33: {  	[tilespmem:s16], [sflag:$0x2] =	stream.strided.gather [hbm4b:s2+s14], $0x2000, s13, s14, $0x38;
	[tilespmem:$0x18100] =	vst v63  }
0x34: {  	s2 =	spop (v2sf);
	(v2sf) =	vpush v8, $0x7  }
0x35: {  	s4 =	sand.u32 $0xFFFFF80, s2;
	s3 =	spop (v2sf)  }
0x36: {  	s4 =	sadd.s32 s0, s4;
	s10 =	sand.u32 $0xFFFFF80, s3;
	s9 =	spop (v2sf)  }
0x37: {  	[tilespmem:s17], [sflag:$0x2] =	stream.strided.gather [hbm4b:s4+s14], $0x2000, s13, s14, $0x38;
	[tilespmem:$0x18100] =	vst v63  }
0x38: {  	s4 =	sadd.s32 s0, s10;
	s31 =	sand.u32 $0xFFFFF80, s9  }
0x39: {  	[tilespmem:s18], [sflag:$0x2] =	stream.strided.gather [hbm4b:s4+s14], $0x2000, s13, s14, $0x38;
	[tilespmem:$0x18100] =	vst v63  }
0x3a: {  	s4 =	sadd.s32 s0, s31  }
0x3b: {  	[tilespmem:s19], [sflag:$0x2] =	stream.strided.gather [hbm4b:s4+s14], $0x2000, s13, s14, $0x38;
	[tilespmem:$0x18100] =	vst v63  }
0x3c: {  	s10 =	spop (v2sf)  }
0x3d: {  	s31 =	sand.u32 $0xFFFFF80, s10  }
0x3e: {  	s31 =	sadd.s32 s0, s31;
	s4 =	spop (v2sf)  }
0x3f: {  	[tilespmem:s20], [sflag:$0x2] =	stream.strided.gather [hbm4b:s31+s14], $0x2000, s13, s14, $0x38;
	[tilespmem:$0x18100] =	vst v63  }
0x40: {  	s5 =	sand.u32 $0xFFFFF80, s4  }
0x41: {  	s31 =	sadd.s32 s0, s5;
	s5 =	sadd.s32 $0xF, s28  }
0x42: {  	[tilespmem:s21], [sflag:$0x2] =	stream.strided.gather [hbm4b:s31+s14], $0x2000, s13, s14, $0x38;
	v9 =	vmov s5;
	[tilespmem:$0x18100] =	vst v63  }
0x43: {  	s31 =	spop (v2sf);
	v10 =	vshll.u32 v9, $0x3  }
0x44: {  	s30 =	sand.u32 $0x7F, s30;
	s5 =	sand.u32 $0xFFFFF80, s31;
	v9 =	vand.u32 $0x7F, v9;
	v10 =	vand.u32 $0x400, v10  }
0x45: {  	v11 =	vor.u32 s30, v0;
	s5 =	sadd.s32 s0, s5;
	v9 =	vor.u32 v9, v10  }
0x46: {  	[tilespmem:s22], [sflag:$0x2] =	stream.strided.gather [hbm4b:s5+s14], $0x2000, s13, s14, $0x38;
	v10 =	vor.u32 v1, v9;
	[tilespmem:$0x18100] =	vst v63  }
0x47: {  	_ =	swait.ge [sflag:s23], $0x2000  }
0x48: {  	s5 =	sadd.s32 $0xFFFFFFF1, s26;
	[sflag:s23] =	ssyncset.done $0x0  }
0x49: {  	v12 =	vmov s5;
	[sflag:s23] =	ssyncadd.s32 $0xFFFFE000  }
0x4a: {  	v13 =	vshll.u32 v12, $0x3;
	v11 =	vld.idx.msk [tilespmem:v11+s15+$0x0], $0xffff  }
0x4b: {  	v12 =	vand.u32 $0x70, v12;
	v13 =	vand.u32 $0x400, v13;
	v10 =	vld.idx.msk [tilespmem:v10+s11+$0x0], $0xffff  }
0x4c: {  	v12 =	vor.u32 v12, v13  }
0x4d: {  	v13 =	vor.u32 v1, v12  }
0x4e: {  	v14 =	vor.u32 s30, v2  }
0x4f: {  	v15 =	vor.u32 v3, v9  }
0x50: {  	v10 =	vadd.f32 v10, v11;
	_ =	sdelay $0x1  }
0x51: {  	[tilespmem:v13+s24+$0x0] =	vst.idx.msk $0xffff, v10  }
0x52: {  	v10 =	vld.idx.msk [tilespmem:v14+s15+$0x0], $0xffff  }
0x53: {  	v44 =	vld.idx.msk [tilespmem:v15+s11+$0x0], $0xffff;
	_ =	sdelay $0x1  }
0x54: {  	v45 =	vor.u32 v3, v12  }
0x55: {  	v46 =	vor.u32 s30, v4  }
0x56: {  	v47 =	vor.u32 v5, v9  }
0x57: {  	v10 =	vadd.f32 v44, v10;
	_ =	sdelay $0x1  }
0x58: {  	[tilespmem:v45+s24+$0x0] =	vst.idx.msk $0xffff, v10  }
0x59: {  	(v2sf) =	vpush v8, $0x8;
	v10 =	vld.idx.msk [tilespmem:v46+s15+$0x0], $0xffff  }
0x5a: {  	v48 =	vld.idx.msk [tilespmem:v47+s11+$0x0], $0xffff;
	_ =	sdelay $0x1  }
0x5b: {  	v49 =	vor.u32 v5, v12  }
0x5c: {  	v50 =	vor.u32 s30, v6  }
0x5d: {  	v9 =	vor.u32 v7, v9  }
0x5e: {  	v10 =	vadd.f32 v48, v10;
	_ =	sdelay $0x1  }
0x5f: {  	[tilespmem:v49+s24+$0x0] =	vst.idx.msk $0xffff, v10  }
0x60: {  	v10 =	vld.idx.msk [tilespmem:v50+s15+$0x0], $0xffff  }
0x61: {  	v9 =	vld.idx.msk [tilespmem:v9+s11+$0x0], $0xffff;
	_ =	sdelay $0x1  }
0x62: {  	v51 =	vor.u32 v7, v12  }
0x63: {  	s30 =	sadd.s32 $0xE, s28  }
0x64: {  	v52 =	vmov s30  }
0x65: {  	v53 =	vshll.u32 v52, $0x3;
	s30 =	spop (v2sf);
	v9 =	vadd.f32 v9, v10  }
0x66: {  	s1 =	sand.u32 $0x7F, s1;
	v12 =	vand.u32 $0x7E, v52;
	s5 =	sand.u32 $0xFFFFF80, s30;
	v10 =	vand.u32 $0x400, v53  }
0x67: {  	v54 =	vor.u32 s1, v0;
	s5 =	sadd.s32 s0, s5;
	v10 =	vor.u32 v12, v10;
	[tilespmem:v51+s24+$0x0] =	vst.idx.msk $0xffff, v9  }
0x68: {  	v55 =	vor.u32 v1, v10;
	[tilespmem:s15], [sflag:$0x2] =	stream.strided.gather [hbm4b:s5+s14], $0x2000, s13, s14, $0x38;
	[tilespmem:$0x18100] =	vst v63  }
0x69: {  	_ =	swait.ge [sflag:s23], $0x2000  }
0x6a: {  	s5 =	sadd.s32 $0xFFFFFFF2, s26;
	[sflag:s23] =	ssyncset.done $0x0  }
0x6b: {  	v56 =	vmov s5;
	[sflag:s23] =	ssyncadd.s32 $0xFFFFE000  }
0x6c: {  	v57 =	vshll.u32 v56, $0x3;
	v9 =	vld.idx.msk [tilespmem:v54+s16+$0x0], $0xffff  }
0x6d: {  	v12 =	vand.u32 $0x71, v56;
	v13 =	vand.u32 $0x400, v57;
	v11 =	vld.idx.msk [tilespmem:v55+s11+$0x0], $0xffff  }
0x6e: {  	v12 =	vor.u32 v12, v13  }
0x6f: {  	v13 =	vor.u32 v1, v12  }
0x70: {  	v58 =	vor.u32 s1, v2  }
0x71: {  	v59 =	vor.u32 v3, v10  }
0x72: {  	v9 =	vadd.f32 v11, v9;
	_ =	sdelay $0x1  }
0x73: {  	[tilespmem:v13+s24+$0x0] =	vst.idx.msk $0xffff, v9  }
0x74: {  	v9 =	vld.idx.msk [tilespmem:v58+s16+$0x0], $0xffff  }
0x75: {  	v60 =	vld.idx.msk [tilespmem:v59+s11+$0x0], $0xffff;
	_ =	sdelay $0x1  }
0x76: {  	v61 =	vor.u32 v3, v12  }
0x77: {  	v62 =	vor.u32 s1, v4  }
0x78: {  	v63 =	vor.u32 v5, v10  }
0x79: {  	v9 =	vadd.f32 v60, v9;
	_ =	sdelay $0x1  }
0x7a: {  	[tilespmem:v61+s24+$0x0] =	vst.idx.msk $0xffff, v9  }
0x7b: {  	(v2sf) =	vpush v8, $0x9;
	v9 =	vld.idx.msk [tilespmem:v62+s16+$0x0], $0xffff  }
0x7c: {  	v18 =	vld.idx.msk [tilespmem:v63+s11+$0x0], $0xffff;
	_ =	sdelay $0x1  }
0x7d: {  	v19 =	vor.u32 v5, v12  }
0x7e: {  	v20 =	vor.u32 s1, v6  }
0x7f: {  	v10 =	vor.u32 v7, v10  }
0x80: {  	v9 =	vadd.f32 v18, v9;
	_ =	sdelay $0x1  }
0x81: {  	[tilespmem:v19+s24+$0x0] =	vst.idx.msk $0xffff, v9  }
0x82: {  	v9 =	vld.idx.msk [tilespmem:v20+s16+$0x0], $0xffff  }
0x83: {  	v10 =	vld.idx.msk [tilespmem:v10+s11+$0x0], $0xffff;
	_ =	sdelay $0x1  }
0x84: {  	v21 =	vor.u32 v7, v12  }
0x85: {  	s5 =	sadd.s32 $0xD, s28  }
0x86: {  	v22 =	vmov s5  }
0x87: {  	v23 =	vshll.u32 v22, $0x3;
	s1 =	spop (v2sf);
	v9 =	vadd.f32 v10, v9  }
0x88: {  	s2 =	sand.u32 $0x7F, s2;
	v12 =	vand.u32 $0x7D, v22;
	s5 =	sand.u32 $0xFFFFF80, s1;
	v10 =	vand.u32 $0x400, v23  }
0x89: {  	v24 =	vor.u32 s2, v0;
	s5 =	sadd.s32 s0, s5;
	v10 =	vor.u32 v12, v10;
	[tilespmem:v21+s24+$0x0] =	vst.idx.msk $0xffff, v9  }
0x8a: {  	v25 =	vor.u32 v1, v10;
	[tilespmem:s16], [sflag:$0x2] =	stream.strided.gather [hbm4b:s5+s14], $0x2000, s13, s14, $0x38;
	[tilespmem:$0x18100] =	vst v63  }
0x8b: {  	_ =	swait.ge [sflag:s23], $0x2000  }
0x8c: {  	s5 =	sadd.s32 $0xFFFFFFF3, s26;
	[sflag:s23] =	ssyncset.done $0x0  }
0x8d: {  	v26 =	vmov s5;
	[sflag:s23] =	ssyncadd.s32 $0xFFFFE000  }
0x8e: {  	v27 =	vshll.u32 v26, $0x3;
	v9 =	vld.idx.msk [tilespmem:v24+s17+$0x0], $0xffff  }
0x8f: {  	v12 =	vand.u32 $0x72, v26;
	v13 =	vand.u32 $0x400, v27;
	v11 =	vld.idx.msk [tilespmem:v25+s11+$0x0], $0xffff  }
0x90: {  	v12 =	vor.u32 v12, v13  }
0x91: {  	v13 =	vor.u32 v1, v12  }
0x92: {  	v28 =	vor.u32 s2, v2  }
0x93: {  	v29 =	vor.u32 v3, v10  }
0x94: {  	v9 =	vadd.f32 v11, v9;
	_ =	sdelay $0x1  }
0x95: {  	[tilespmem:v13+s24+$0x0] =	vst.idx.msk $0xffff, v9  }
0x96: {  	v9 =	vld.idx.msk [tilespmem:v28+s17+$0x0], $0xffff  }
0x97: {  	v30 =	vld.idx.msk [tilespmem:v29+s11+$0x0], $0xffff;
	_ =	sdelay $0x1  }
0x98: {  	v31 =	vor.u32 v3, v12  }
0x99: {  	v32 =	vor.u32 s2, v4  }
0x9a: {  	v33 =	vor.u32 v5, v10  }
0x9b: {  	v9 =	vadd.f32 v30, v9;
	_ =	sdelay $0x1  }
0x9c: {  	[tilespmem:v31+s24+$0x0] =	vst.idx.msk $0xffff, v9  }
0x9d: {  	(v2sf) =	vpush v8, $0xA;
	v9 =	vld.idx.msk [tilespmem:v32+s17+$0x0], $0xffff  }
0x9e: {  	v34 =	vld.idx.msk [tilespmem:v33+s11+$0x0], $0xffff;
	_ =	sdelay $0x1  }
0x9f: {  	v35 =	vor.u32 v5, v12  }
0xa0: {  	v36 =	vor.u32 s2, v6  }
0xa1: {  	v10 =	vor.u32 v7, v10  }
0xa2: {  	v9 =	vadd.f32 v34, v9;
	_ =	sdelay $0x1  }
0xa3: {  	[tilespmem:v35+s24+$0x0] =	vst.idx.msk $0xffff, v9  }
0xa4: {  	v9 =	vld.idx.msk [tilespmem:v36+s17+$0x0], $0xffff  }
0xa5: {  	v10 =	vld.idx.msk [tilespmem:v10+s11+$0x0], $0xffff;
	_ =	sdelay $0x1  }
0xa6: {  	v37 =	vor.u32 v7, v12  }
0xa7: {  	s5 =	sadd.s32 $0xC, s28  }
0xa8: {  	v38 =	vmov s5  }
0xa9: {  	v39 =	vshll.u32 v38, $0x3;
	s2 =	spop (v2sf);
	v9 =	vadd.f32 v10, v9  }
0xaa: {  	s3 =	sand.u32 $0x7F, s3;
	v12 =	vand.u32 $0x7C, v38;
	s5 =	sand.u32 $0xFFFFF80, s2;
	v10 =	vand.u32 $0x400, v39  }
0xab: {  	v40 =	vor.u32 s3, v0;
	s5 =	sadd.s32 s0, s5;
	v10 =	vor.u32 v12, v10;
	[tilespmem:v37+s24+$0x0] =	vst.idx.msk $0xffff, v9  }
0xac: {  	v41 =	vor.u32 v1, v10;
	[tilespmem:s17], [sflag:$0x2] =	stream.strided.gather [hbm4b:s5+s14], $0x2000, s13, s14, $0x38;
	[tilespmem:$0x18100] =	vst v63  }
0xad: {  	_ =	swait.ge [sflag:s23], $0x2000  }
0xae: {  	s5 =	sadd.s32 $0xFFFFFFF4, s26;
	[sflag:s23] =	ssyncset.done $0x0  }
0xaf: {  	v42 =	vmov s5;
	[sflag:s23] =	ssyncadd.s32 $0xFFFFE000  }
0xb0: {  	v43 =	vshll.u32 v42, $0x3;
	v9 =	vld.idx.msk [tilespmem:v40+s18+$0x0], $0xffff  }
0xb1: {  	v12 =	vand.u32 $0x73, v42;
	v13 =	vand.u32 $0x400, v43;
	v11 =	vld.idx.msk [tilespmem:v41+s11+$0x0], $0xffff  }
0xb2: {  	v12 =	vor.u32 v12, v13  }
0xb3: {  	v13 =	vor.u32 v1, v12  }
0xb4: {  	v44 =	vor.u32 s3, v2  }
0xb5: {  	v45 =	vor.u32 v3, v10  }
0xb6: {  	v9 =	vadd.f32 v11, v9;
	_ =	sdelay $0x1  }
0xb7: {  	[tilespmem:v13+s24+$0x0] =	vst.idx.msk $0xffff, v9  }
0xb8: {  	v9 =	vld.idx.msk [tilespmem:v44+s18+$0x0], $0xffff  }
0xb9: {  	v46 =	vld.idx.msk [tilespmem:v45+s11+$0x0], $0xffff;
	_ =	sdelay $0x1  }
0xba: {  	v47 =	vor.u32 v3, v12  }
0xbb: {  	v48 =	vor.u32 s3, v4  }
0xbc: {  	v49 =	vor.u32 v5, v10  }
0xbd: {  	v9 =	vadd.f32 v46, v9;
	_ =	sdelay $0x1  }
0xbe: {  	[tilespmem:v47+s24+$0x0] =	vst.idx.msk $0xffff, v9  }
0xbf: {  	(v2sf) =	vpush v8, $0xB;
	v9 =	vld.idx.msk [tilespmem:v48+s18+$0x0], $0xffff  }
0xc0: {  	v50 =	vld.idx.msk [tilespmem:v49+s11+$0x0], $0xffff;
	_ =	sdelay $0x1  }
0xc1: {  	v51 =	vor.u32 v5, v12  }
0xc2: {  	v52 =	vor.u32 s3, v6  }
0xc3: {  	v10 =	vor.u32 v7, v10  }
0xc4: {  	v9 =	vadd.f32 v50, v9;
	_ =	sdelay $0x1  }
0xc5: {  	[tilespmem:v51+s24+$0x0] =	vst.idx.msk $0xffff, v9  }
0xc6: {  	v9 =	vld.idx.msk [tilespmem:v52+s18+$0x0], $0xffff  }
0xc7: {  	v10 =	vld.idx.msk [tilespmem:v10+s11+$0x0], $0xffff;
	_ =	sdelay $0x1  }
0xc8: {  	v53 =	vor.u32 v7, v12  }
0xc9: {  	s5 =	sadd.s32 $0xB, s28  }
0xca: {  	v54 =	vmov s5  }
0xcb: {  	v55 =	vshll.u32 v54, $0x3;
	s3 =	spop (v2sf);
	v9 =	vadd.f32 v10, v9  }
0xcc: {  	s9 =	sand.u32 $0x7F, s9;
	v12 =	vand.u32 $0x7B, v54;
	s5 =	sand.u32 $0xFFFFF80, s3;
	v10 =	vand.u32 $0x400, v55  }
0xcd: {  	v56 =	vor.u32 s9, v0;
	s5 =	sadd.s32 s0, s5;
	v10 =	vor.u32 v12, v10;
	[tilespmem:v53+s24+$0x0] =	vst.idx.msk $0xffff, v9  }
0xce: {  	v57 =	vor.u32 v1, v10;
	[tilespmem:s18], [sflag:$0x2] =	stream.strided.gather [hbm4b:s5+s14], $0x2000, s13, s14, $0x38;
	[tilespmem:$0x18100] =	vst v63  }
0xcf: {  	_ =	swait.ge [sflag:s23], $0x2000  }
0xd0: {  	s5 =	sadd.s32 $0xFFFFFFF5, s26;
	[sflag:s23] =	ssyncset.done $0x0  }
0xd1: {  	v58 =	vmov s5;
	[sflag:s23] =	ssyncadd.s32 $0xFFFFE000  }
0xd2: {  	v59 =	vshll.u32 v58, $0x3;
	v9 =	vld.idx.msk [tilespmem:v56+s19+$0x0], $0xffff  }
0xd3: {  	v12 =	vand.u32 $0x74, v58;
	v13 =	vand.u32 $0x400, v59;
	v11 =	vld.idx.msk [tilespmem:v57+s11+$0x0], $0xffff  }
0xd4: {  	v12 =	vor.u32 v12, v13  }
0xd5: {  	v13 =	vor.u32 v1, v12  }
0xd6: {  	v60 =	vor.u32 s9, v2  }
0xd7: {  	v61 =	vor.u32 v3, v10  }
0xd8: {  	v9 =	vadd.f32 v11, v9;
	_ =	sdelay $0x1  }
0xd9: {  	[tilespmem:v13+s24+$0x0] =	vst.idx.msk $0xffff, v9  }
0xda: {  	v9 =	vld.idx.msk [tilespmem:v60+s19+$0x0], $0xffff  }
0xdb: {  	v62 =	vld.idx.msk [tilespmem:v61+s11+$0x0], $0xffff;
	_ =	sdelay $0x1  }
0xdc: {  	v63 =	vor.u32 v3, v12  }
0xdd: {  	v18 =	vor.u32 s9, v4  }
0xde: {  	v19 =	vor.u32 v5, v10  }
0xdf: {  	v9 =	vadd.f32 v62, v9;
	_ =	sdelay $0x1  }
0xe0: {  	[tilespmem:v63+s24+$0x0] =	vst.idx.msk $0xffff, v9  }
0xe1: {  	(v2sf) =	vpush v8, $0xC;
	v9 =	vld.idx.msk [tilespmem:v18+s19+$0x0], $0xffff  }
0xe2: {  	v20 =	vld.idx.msk [tilespmem:v19+s11+$0x0], $0xffff;
	_ =	sdelay $0x1  }
0xe3: {  	v21 =	vor.u32 v5, v12  }
0xe4: {  	v22 =	vor.u32 s9, v6  }
0xe5: {  	v10 =	vor.u32 v7, v10  }
0xe6: {  	v9 =	vadd.f32 v20, v9;
	_ =	sdelay $0x1  }
0xe7: {  	[tilespmem:v21+s24+$0x0] =	vst.idx.msk $0xffff, v9  }
0xe8: {  	v9 =	vld.idx.msk [tilespmem:v22+s19+$0x0], $0xffff  }
0xe9: {  	v10 =	vld.idx.msk [tilespmem:v10+s11+$0x0], $0xffff;
	_ =	sdelay $0x1  }
0xea: {  	v23 =	vor.u32 v7, v12  }
0xeb: {  	s9 =	sadd.s32 $0xA, s28  }
0xec: {  	v24 =	vmov s9  }
0xed: {  	v25 =	vshll.u32 v24, $0x3;
	s9 =	spop (v2sf);
	v9 =	vadd.f32 v10, v9  }
0xee: {  	s10 =	sand.u32 $0x7F, s10;
	v12 =	vand.u32 $0x7A, v24;
	s5 =	sand.u32 $0xFFFFF80, s9;
	v10 =	vand.u32 $0x400, v25  }
0xef: {  	v26 =	vor.u32 s10, v0;
	s5 =	sadd.s32 s0, s5;
	v10 =	vor.u32 v12, v10;
	[tilespmem:v23+s24+$0x0] =	vst.idx.msk $0xffff, v9  }
0xf0: {  	v27 =	vor.u32 v1, v10;
	[tilespmem:s19], [sflag:$0x2] =	stream.strided.gather [hbm4b:s5+s14], $0x2000, s13, s14, $0x38;
	[tilespmem:$0x18100] =	vst v63  }
0xf1: {  	_ =	swait.ge [sflag:s23], $0x2000  }
0xf2: {  	s5 =	sadd.s32 $0xFFFFFFF6, s26;
	[sflag:s23] =	ssyncset.done $0x0  }
0xf3: {  	v28 =	vmov s5;
	[sflag:s23] =	ssyncadd.s32 $0xFFFFE000  }
0xf4: {  	v29 =	vshll.u32 v28, $0x3;
	v9 =	vld.idx.msk [tilespmem:v26+s20+$0x0], $0xffff  }
0xf5: {  	v12 =	vand.u32 $0x75, v28;
	v13 =	vand.u32 $0x400, v29;
	v11 =	vld.idx.msk [tilespmem:v27+s11+$0x0], $0xffff  }
0xf6: {  	v12 =	vor.u32 v12, v13  }
0xf7: {  	v13 =	vor.u32 v1, v12  }
0xf8: {  	v30 =	vor.u32 s10, v2  }
0xf9: {  	v31 =	vor.u32 v3, v10  }
0xfa: {  	v9 =	vadd.f32 v11, v9;
	_ =	sdelay $0x1  }
0xfb: {  	[tilespmem:v13+s24+$0x0] =	vst.idx.msk $0xffff, v9  }
0xfc: {  	v9 =	vld.idx.msk [tilespmem:v30+s20+$0x0], $0xffff  }
0xfd: {  	v32 =	vld.idx.msk [tilespmem:v31+s11+$0x0], $0xffff;
	_ =	sdelay $0x1  }
0xfe: {  	v33 =	vor.u32 v3, v12  }
0xff: {  	v34 =	vor.u32 s10, v4  }
0x100: {  	v35 =	vor.u32 v5, v10  }
0x101: {  	v9 =	vadd.f32 v32, v9;
	_ =	sdelay $0x1  }
0x102: {  	[tilespmem:v33+s24+$0x0] =	vst.idx.msk $0xffff, v9  }
0x103: {  	(v2sf) =	vpush v8, $0xD;
	v9 =	vld.idx.msk [tilespmem:v34+s20+$0x0], $0xffff  }
0x104: {  	v36 =	vld.idx.msk [tilespmem:v35+s11+$0x0], $0xffff;
	_ =	sdelay $0x1  }
0x105: {  	v37 =	vor.u32 v5, v12  }
0x106: {  	v38 =	vor.u32 s10, v6  }
0x107: {  	v10 =	vor.u32 v7, v10  }
0x108: {  	v9 =	vadd.f32 v36, v9;
	_ =	sdelay $0x1  }
0x109: {  	[tilespmem:v37+s24+$0x0] =	vst.idx.msk $0xffff, v9  }
0x10a: {  	v9 =	vld.idx.msk [tilespmem:v38+s20+$0x0], $0xffff  }
0x10b: {  	v10 =	vld.idx.msk [tilespmem:v10+s11+$0x0], $0xffff;
	_ =	sdelay $0x1  }
0x10c: {  	v39 =	vor.u32 v7, v12  }
0x10d: {  	s10 =	sadd.s32 $0x9, s28  }
0x10e: {  	v40 =	vmov s10  }
0x10f: {  	v41 =	vshll.u32 v40, $0x3;
	s10 =	spop (v2sf);
	v9 =	vadd.f32 v10, v9  }
0x110: {  	s4 =	sand.u32 $0x7F, s4;
	v12 =	vand.u32 $0x79, v40;
	s5 =	sand.u32 $0xFFFFF80, s10;
	v10 =	vand.u32 $0x400, v41  }
0x111: {  	v42 =	vor.u32 s4, v0;
	s5 =	sadd.s32 s0, s5;
	v10 =	vor.u32 v12, v10;
	[tilespmem:v39+s24+$0x0] =	vst.idx.msk $0xffff, v9  }
0x112: {  	v43 =	vor.u32 v1, v10;
	[tilespmem:s20], [sflag:$0x2] =	stream.strided.gather [hbm4b:s5+s14], $0x2000, s13, s14, $0x38;
	[tilespmem:$0x18100] =	vst v63  }
0x113: {  	_ =	swait.ge [sflag:s23], $0x2000  }
0x114: {  	s5 =	sadd.s32 $0xFFFFFFF7, s26;
	[sflag:s23] =	ssyncset.done $0x0  }
0x115: {  	v44 =	vmov s5;
	[sflag:s23] =	ssyncadd.s32 $0xFFFFE000  }
0x116: {  	v45 =	vshll.u32 v44, $0x3;
	v9 =	vld.idx.msk [tilespmem:v42+s21+$0x0], $0xffff  }
0x117: {  	v12 =	vand.u32 $0x76, v44;
	v13 =	vand.u32 $0x400, v45;
	v11 =	vld.idx.msk [tilespmem:v43+s11+$0x0], $0xffff  }
0x118: {  	v12 =	vor.u32 v12, v13  }
0x119: {  	v13 =	vor.u32 v1, v12  }
0x11a: {  	v46 =	vor.u32 s4, v2  }
0x11b: {  	v47 =	vor.u32 v3, v10  }
0x11c: {  	v9 =	vadd.f32 v11, v9;
	_ =	sdelay $0x1  }
0x11d: {  	[tilespmem:v13+s24+$0x0] =	vst.idx.msk $0xffff, v9  }
0x11e: {  	v9 =	vld.idx.msk [tilespmem:v46+s21+$0x0], $0xffff  }
0x11f: {  	v48 =	vld.idx.msk [tilespmem:v47+s11+$0x0], $0xffff;
	_ =	sdelay $0x1  }
0x120: {  	v49 =	vor.u32 v3, v12  }
0x121: {  	v50 =	vor.u32 s4, v4  }
0x122: {  	v51 =	vor.u32 v5, v10  }
0x123: {  	v9 =	vadd.f32 v48, v9;
	_ =	sdelay $0x1  }
0x124: {  	[tilespmem:v49+s24+$0x0] =	vst.idx.msk $0xffff, v9  }
0x125: {  	(v2sf) =	vpush v8, $0xE;
	v9 =	vld.idx.msk [tilespmem:v50+s21+$0x0], $0xffff  }
0x126: {  	v52 =	vld.idx.msk [tilespmem:v51+s11+$0x0], $0xffff;
	_ =	sdelay $0x1  }
0x127: {  	v53 =	vor.u32 v5, v12  }
0x128: {  	v54 =	vor.u32 s4, v6  }
0x129: {  	v10 =	vor.u32 v7, v10  }
0x12a: {  	v9 =	vadd.f32 v52, v9;
	_ =	sdelay $0x1  }
0x12b: {  	[tilespmem:v53+s24+$0x0] =	vst.idx.msk $0xffff, v9  }
0x12c: {  	v9 =	vld.idx.msk [tilespmem:v54+s21+$0x0], $0xffff  }
0x12d: {  	v10 =	vld.idx.msk [tilespmem:v10+s11+$0x0], $0xffff;
	_ =	sdelay $0x1  }
0x12e: {  	v55 =	vor.u32 v7, v12  }
0x12f: {  	s5 =	sadd.s32 $0x8, s28  }
0x130: {  	v56 =	vmov s5  }
0x131: {  	v57 =	vshll.u32 v56, $0x3;
	s4 =	spop (v2sf);
	v9 =	vadd.f32 v10, v9  }
0x132: {  	s31 =	sand.u32 $0x7F, s31;
	v12 =	vand.u32 $0x78, v56;
	s5 =	sand.u32 $0xFFFFF80, s4;
	v10 =	vand.u32 $0x400, v57  }
0x133: {  	v58 =	vor.u32 s31, v0;
	s5 =	sadd.s32 s0, s5;
	v10 =	vor.u32 v12, v10;
	[tilespmem:v55+s24+$0x0] =	vst.idx.msk $0xffff, v9  }
0x134: {  	v59 =	vor.u32 v1, v10;
	[tilespmem:s21], [sflag:$0x2] =	stream.strided.gather [hbm4b:s5+s14], $0x2000, s13, s14, $0x38;
	[tilespmem:$0x18100] =	vst v63  }
0x135: {  	_ =	swait.ge [sflag:s23], $0x2000  }
0x136: {  	s5 =	sadd.s32 $0xFFFFFFF8, s26;
	[sflag:s23] =	ssyncset.done $0x0  }
0x137: {  	v60 =	vmov s5;
	[sflag:s23] =	ssyncadd.s32 $0xFFFFE000  }
0x138: {  	v61 =	vshll.u32 v60, $0x3;
	v9 =	vld.idx.msk [tilespmem:v58+s22+$0x0], $0xffff  }
0x139: {  	v12 =	vand.u32 $0x77, v60;
	v13 =	vand.u32 $0x400, v61;
	v11 =	vld.idx.msk [tilespmem:v59+s11+$0x0], $0xffff  }
0x13a: {  	v12 =	vor.u32 v12, v13  }
0x13b: {  	v13 =	vor.u32 v1, v12  }
0x13c: {  	v62 =	vor.u32 s31, v2  }
0x13d: {  	v63 =	vor.u32 v3, v10  }
0x13e: {  	v9 =	vadd.f32 v11, v9;
	_ =	sdelay $0x1  }
0x13f: {  	[tilespmem:v13+s24+$0x0] =	vst.idx.msk $0xffff, v9  }
0x140: {  	v9 =	vld.idx.msk [tilespmem:v62+s22+$0x0], $0xffff  }
0x141: {  	v18 =	vld.idx.msk [tilespmem:v63+s11+$0x0], $0xffff;
	_ =	sdelay $0x1  }
0x142: {  	v19 =	vor.u32 v3, v12  }
0x143: {  	v20 =	vor.u32 s31, v4  }
0x144: {  	v21 =	vor.u32 v5, v10  }
0x145: {  	v9 =	vadd.f32 v18, v9;
	_ =	sdelay $0x1  }
0x146: {  	[tilespmem:v19+s24+$0x0] =	vst.idx.msk $0xffff, v9  }
0x147: {  	(v2sf) =	vpush v8, $0xF;
	v9 =	vld.idx.msk [tilespmem:v20+s22+$0x0], $0xffff  }
0x148: {  	v8 =	vld.idx.msk [tilespmem:v21+s11+$0x0], $0xffff;
	_ =	sdelay $0x1  }
0x149: {  	v22 =	vor.u32 v5, v12  }
0x14a: {  	v23 =	vor.u32 s31, v6  }
0x14b: {  	v10 =	vor.u32 v7, v10  }
0x14c: {  	v8 =	vadd.f32 v8, v9;
	_ =	sdelay $0x1  }
0x14d: {  	[tilespmem:v22+s24+$0x0] =	vst.idx.msk $0xffff, v8  }
0x14e: {  	v8 =	vld.idx.msk [tilespmem:v23+s22+$0x0], $0xffff  }
0x14f: {  	v24 =	vld.idx.msk [tilespmem:v10+s11+$0x0], $0xffff;
	_ =	sdelay $0x1  }
0x150: {  	v25 =	vor.u32 v7, v12  }
0x151: {  	s31 =	sadd.s32 $0x7, s28  }
0x152: {  	v26 =	vmov s31  }
0x153: {  	v27 =	vshll.u32 v26, $0x3;
	s31 =	spop (v2sf);
	v8 =	vadd.f32 v24, v8  }
0x154: {  	s30 =	sand.u32 $0x7F, s30;
	v11 =	vand.u32 $0x77, v26;
	s5 =	sand.u32 $0xFFFFF80, s31;
	v9 =	vand.u32 $0x400, v27  }
0x155: {  	s5 =	sadd.s32 s0, s5;
	v9 =	vor.u32 v11, v9;
	[tilespmem:v25+s24+$0x0] =	vst.idx.msk $0xffff, v8;
	v8 =	vor.u32 s30, v0  }
0x156: {  	v28 =	vor.u32 v1, v9;
	[tilespmem:s22], [sflag:$0x2] =	stream.strided.gather [hbm4b:s5+s14], $0x2000, s13, s14, $0x38;
	[tilespmem:$0x18100] =	vst v63  }
0x157: {  	_ =	swait.ge [sflag:s23], $0x2000  }
0x158: {  	s5 =	sadd.s32 $0xFFFFFFF9, s26;
	[sflag:s23] =	ssyncset.done $0x0  }
0x159: {  	v29 =	vmov s5;
	[sflag:s23] =	ssyncadd.s32 $0xFFFFE000  }
0x15a: {  	v30 =	vshll.u32 v29, $0x3;
	v8 =	vld.idx.msk [tilespmem:v8+s15+$0x0], $0xffff  }
0x15b: {  	v11 =	vand.u32 $0x78, v29;
	v12 =	vand.u32 $0x400, v30;
	v10 =	vld.idx.msk [tilespmem:v28+s11+$0x0], $0xffff  }
0x15c: {  	v11 =	vor.u32 v11, v12  }
0x15d: {  	v12 =	vor.u32 v1, v11  }
0x15e: {  	v31 =	vor.u32 s30, v2  }
0x15f: {  	v32 =	vor.u32 v3, v9  }
0x160: {  	v8 =	vadd.f32 v10, v8;
	_ =	sdelay $0x1  }
0x161: {  	[tilespmem:v12+s24+$0x0] =	vst.idx.msk $0xffff, v8  }
0x162: {  	v8 =	vld.idx.msk [tilespmem:v31+s15+$0x0], $0xffff  }
0x163: {  	v33 =	vld.idx.msk [tilespmem:v32+s11+$0x0], $0xffff;
	_ =	sdelay $0x1  }
0x164: {  	v34 =	vor.u32 v3, v11  }
0x165: {  	v35 =	vor.u32 s30, v4  }
0x166: {  	v36 =	vor.u32 v5, v9  }
0x167: {  	v8 =	vadd.f32 v33, v8;
	_ =	sdelay $0x1  }
0x168: {  	[tilespmem:v34+s24+$0x0] =	vst.idx.msk $0xffff, v8  }
0x169: {  	v8 =	vld.idx.msk [tilespmem:v35+s15+$0x0], $0xffff  }
0x16a: {  	v37 =	vld.idx.msk [tilespmem:v36+s11+$0x0], $0xffff;
	_ =	sdelay $0x1  }
0x16b: {  	v38 =	vor.u32 v5, v11  }
0x16c: {  	v39 =	vor.u32 s30, v6  }
0x16d: {  	v9 =	vor.u32 v7, v9  }
0x16e: {  	v8 =	vadd.f32 v37, v8;
	_ =	sdelay $0x1  }
0x16f: {  	[tilespmem:v38+s24+$0x0] =	vst.idx.msk $0xffff, v8  }
0x170: {  	v8 =	vld.idx.msk [tilespmem:v39+s15+$0x0], $0xffff  }
0x171: {  	v9 =	vld.idx.msk [tilespmem:v9+s11+$0x0], $0xffff;
	_ =	sdelay $0x1  }
0x172: {  	s30 =	sadd.s32 $0x6, s28;
	v40 =	vor.u32 v7, v11  }
0x173: {  	v41 =	vmov s30  }
0x174: {  	v42 =	vshll.u32 v41, $0x3  }
0x175: {  	s1 =	sand.u32 $0x7F, s1;
	v43 =	vand.u32 $0x76, v41;
	v44 =	vand.u32 $0x400, v42;
	v8 =	vadd.f32 v9, v8  }
0x176: {  	v45 =	vor.u32 s1, v0;
	v9 =	vor.u32 v43, v44  }
0x177: {  	[tilespmem:v40+s24+$0x0] =	vst.idx.msk $0xffff, v8;
	v8 =	vor.u32 v1, v9  }
0x178: {  	_ =	swait.ge [sflag:s23], $0x2000  }
0x179: {  	s30 =	sadd.s32 $0xFFFFFFFA, s26;
	[sflag:s23] =	ssyncset.done $0x0  }
0x17a: {  	v46 =	vmov s30;
	[sflag:s23] =	ssyncadd.s32 $0xFFFFE000  }
0x17b: {  	v48 =	vshll.u32 v46, $0x3;
	v47 =	vld.idx.msk [tilespmem:v45+s16+$0x0], $0xffff  }
0x17c: {  	v10 =	vand.u32 $0x79, v46;
	v12 =	vand.u32 $0x400, v48;
	v8 =	vld.idx.msk [tilespmem:v8+s11+$0x0], $0xffff  }
0x17d: {  	v10 =	vor.u32 v10, v12  }
0x17e: {  	v12 =	vor.u32 v1, v10  }
0x17f: {  	v49 =	vor.u32 s1, v2  }
0x180: {  	v50 =	vor.u32 v3, v9  }
0x181: {  	v8 =	vadd.f32 v8, v47;
	_ =	sdelay $0x1  }
0x182: {  	[tilespmem:v12+s24+$0x0] =	vst.idx.msk $0xffff, v8  }
0x183: {  	v8 =	vld.idx.msk [tilespmem:v49+s16+$0x0], $0xffff  }
0x184: {  	v51 =	vld.idx.msk [tilespmem:v50+s11+$0x0], $0xffff;
	_ =	sdelay $0x1  }
0x185: {  	v52 =	vor.u32 v3, v10  }
0x186: {  	v53 =	vor.u32 s1, v4  }
0x187: {  	v54 =	vor.u32 v5, v9  }
0x188: {  	v8 =	vadd.f32 v51, v8;
	_ =	sdelay $0x1  }
0x189: {  	[tilespmem:v52+s24+$0x0] =	vst.idx.msk $0xffff, v8  }
0x18a: {  	v8 =	vld.idx.msk [tilespmem:v53+s16+$0x0], $0xffff  }
0x18b: {  	v55 =	vld.idx.msk [tilespmem:v54+s11+$0x0], $0xffff;
	_ =	sdelay $0x1  }
0x18c: {  	v56 =	vor.u32 v5, v10  }
0x18d: {  	v57 =	vor.u32 s1, v6  }
0x18e: {  	v9 =	vor.u32 v7, v9  }
0x18f: {  	v8 =	vadd.f32 v55, v8;
	_ =	sdelay $0x1  }
0x190: {  	[tilespmem:v56+s24+$0x0] =	vst.idx.msk $0xffff, v8  }
0x191: {  	v8 =	vld.idx.msk [tilespmem:v57+s16+$0x0], $0xffff  }
0x192: {  	v9 =	vld.idx.msk [tilespmem:v9+s11+$0x0], $0xffff;
	_ =	sdelay $0x1  }
0x193: {  	s30 =	sadd.s32 $0x5, s28;
	v10 =	vor.u32 v7, v10  }
0x194: {  	v58 =	vmov s30  }
0x195: {  	v59 =	vshll.u32 v58, $0x3  }
0x196: {  	s5 =	sand.u32 $0x7F, s2;
	v60 =	vand.u32 $0x75, v58;
	v61 =	vand.u32 $0x400, v59;
	v8 =	vadd.f32 v9, v8  }
0x197: {  	v62 =	vor.u32 s5, v0;
	v9 =	vor.u32 v60, v61  }
0x198: {  	[tilespmem:v10+s24+$0x0] =	vst.idx.msk $0xffff, v8;
	v8 =	vor.u32 v1, v9  }
0x199: {  	_ =	swait.ge [sflag:s23], $0x2000  }
0x19a: {  	s30 =	sadd.s32 $0xFFFFFFFB, s26;
	[sflag:s23] =	ssyncset.done $0x0  }
0x19b: {  	v63 =	vmov s30;
	[sflag:s23] =	ssyncadd.s32 $0xFFFFE000  }
0x19c: {  	v17 =	vshll.u32 v63, $0x3;
	v16 =	vld.idx.msk [tilespmem:v62+s17+$0x0], $0xffff  }
0x19d: {  	v12 =	vand.u32 $0x400, v17;
	v10 =	vand.u32 $0x7A, v63;
	v8 =	vld.idx.msk [tilespmem:v8+s11+$0x0], $0xffff  }
0x19e: {  	v10 =	vor.u32 v10, v12  }
0x19f: {  	v12 =	vor.u32 v1, v10  }
0x1a0: {  	v18 =	vor.u32 s5, v2  }
0x1a1: {  	v19 =	vor.u32 v3, v9  }
0x1a2: {  	v8 =	vadd.f32 v8, v16;
	_ =	sdelay $0x1  }
0x1a3: {  	[tilespmem:v12+s24+$0x0] =	vst.idx.msk $0xffff, v8  }
0x1a4: {  	v8 =	vld.idx.msk [tilespmem:v18+s17+$0x0], $0xffff  }
0x1a5: {  	v20 =	vld.idx.msk [tilespmem:v19+s11+$0x0], $0xffff;
	_ =	sdelay $0x1  }
0x1a6: {  	v21 =	vor.u32 v3, v10  }
0x1a7: {  	v22 =	vor.u32 s5, v4  }
0x1a8: {  	v23 =	vor.u32 v5, v9  }
0x1a9: {  	v8 =	vadd.f32 v20, v8;
	_ =	sdelay $0x1  }
0x1aa: {  	[tilespmem:v21+s24+$0x0] =	vst.idx.msk $0xffff, v8  }
0x1ab: {  	v8 =	vld.idx.msk [tilespmem:v22+s17+$0x0], $0xffff  }
0x1ac: {  	v24 =	vld.idx.msk [tilespmem:v23+s11+$0x0], $0xffff;
	_ =	sdelay $0x1  }
0x1ad: {  	v25 =	vor.u32 v5, v10  }
0x1ae: {  	v26 =	vor.u32 s5, v6  }
0x1af: {  	v9 =	vor.u32 v7, v9  }
0x1b0: {  	v8 =	vadd.f32 v24, v8;
	_ =	sdelay $0x1  }
0x1b1: {  	[tilespmem:v25+s24+$0x0] =	vst.idx.msk $0xffff, v8  }
0x1b2: {  	v8 =	vld.idx.msk [tilespmem:v26+s17+$0x0], $0xffff  }
0x1b3: {  	v9 =	vld.idx.msk [tilespmem:v9+s11+$0x0], $0xffff;
	_ =	sdelay $0x1  }
0x1b4: {  	s5 =	sadd.s32 $0x4, s28;
	v10 =	vor.u32 v7, v10  }
0x1b5: {  	v27 =	vmov s5  }
0x1b6: {  	v28 =	vshll.u32 v27, $0x3  }
0x1b7: {  	s30 =	sand.u32 $0x7F, s3;
	v29 =	vand.u32 $0x74, v27;
	v30 =	vand.u32 $0x400, v28;
	v8 =	vadd.f32 v9, v8  }
0x1b8: {  	v31 =	vor.u32 s30, v0;
	v9 =	vor.u32 v29, v30  }
0x1b9: {  	[tilespmem:v10+s24+$0x0] =	vst.idx.msk $0xffff, v8;
	v8 =	vor.u32 v1, v9  }
0x1ba: {  	_ =	swait.ge [sflag:s23], $0x2000  }
0x1bb: {  	s3 =	sadd.s32 $0xFFFFFFFC, s26;
	[sflag:s23] =	ssyncset.done $0x0  }
0x1bc: {  	v32 =	vmov s3;
	[sflag:s23] =	ssyncadd.s32 $0xFFFFE000  }
0x1bd: {  	v34 =	vshll.u32 v32, $0x3;
	v33 =	vld.idx.msk [tilespmem:v31+s18+$0x0], $0xffff  }
0x1be: {  	v12 =	vand.u32 $0x400, v34;
	v10 =	vand.u32 $0x7B, v32;
	v8 =	vld.idx.msk [tilespmem:v8+s11+$0x0], $0xffff  }
0x1bf: {  	v10 =	vor.u32 v10, v12  }
0x1c0: {  	v12 =	vor.u32 v1, v10  }
0x1c1: {  	v35 =	vor.u32 s30, v2  }
0x1c2: {  	v36 =	vor.u32 v3, v9  }
0x1c3: {  	v8 =	vadd.f32 v8, v33;
	_ =	sdelay $0x1  }
0x1c4: {  	[tilespmem:v12+s24+$0x0] =	vst.idx.msk $0xffff, v8  }
0x1c5: {  	v8 =	vld.idx.msk [tilespmem:v35+s18+$0x0], $0xffff  }
0x1c6: {  	v37 =	vld.idx.msk [tilespmem:v36+s11+$0x0], $0xffff;
	_ =	sdelay $0x1  }
0x1c7: {  	v38 =	vor.u32 v3, v10  }
0x1c8: {  	v39 =	vor.u32 s30, v4  }
0x1c9: {  	v40 =	vor.u32 v5, v9  }
0x1ca: {  	v8 =	vadd.f32 v37, v8;
	_ =	sdelay $0x1  }
0x1cb: {  	[tilespmem:v38+s24+$0x0] =	vst.idx.msk $0xffff, v8  }
0x1cc: {  	v8 =	vld.idx.msk [tilespmem:v39+s18+$0x0], $0xffff  }
0x1cd: {  	v41 =	vld.idx.msk [tilespmem:v40+s11+$0x0], $0xffff;
	_ =	sdelay $0x1  }
0x1ce: {  	v42 =	vor.u32 v5, v10  }
0x1cf: {  	v43 =	vor.u32 s30, v6  }
0x1d0: {  	v9 =	vor.u32 v7, v9  }
0x1d1: {  	v8 =	vadd.f32 v41, v8;
	_ =	sdelay $0x1  }
0x1d2: {  	[tilespmem:v42+s24+$0x0] =	vst.idx.msk $0xffff, v8  }
0x1d3: {  	v8 =	vld.idx.msk [tilespmem:v43+s18+$0x0], $0xffff  }
0x1d4: {  	v9 =	vld.idx.msk [tilespmem:v9+s11+$0x0], $0xffff;
	_ =	sdelay $0x1  }
0x1d5: {  	s5 =	sadd.s32 $0x3, s28;
	v10 =	vor.u32 v7, v10  }
0x1d6: {  	v44 =	vmov s5  }
0x1d7: {  	v45 =	vshll.u32 v44, $0x3  }
0x1d8: {  	s9 =	sand.u32 $0x7F, s9;
	v46 =	vand.u32 $0x73, v44;
	v47 =	vand.u32 $0x400, v45;
	v8 =	vadd.f32 v9, v8  }
0x1d9: {  	v48 =	vor.u32 s9, v0;
	v9 =	vor.u32 v46, v47  }
0x1da: {  	[tilespmem:v10+s24+$0x0] =	vst.idx.msk $0xffff, v8;
	v8 =	vor.u32 v1, v9  }
0x1db: {  	_ =	swait.ge [sflag:s23], $0x2000  }
0x1dc: {  	s30 =	sadd.s32 $0xFFFFFFFD, s26;
	[sflag:s23] =	ssyncset.done $0x0  }
0x1dd: {  	v49 =	vmov s30;
	[sflag:s23] =	ssyncadd.s32 $0xFFFFE000  }
0x1de: {  	v51 =	vshll.u32 v49, $0x3;
	v50 =	vld.idx.msk [tilespmem:v48+s19+$0x0], $0xffff  }
0x1df: {  	v12 =	vand.u32 $0x400, v51;
	v10 =	vand.u32 $0x7C, v49;
	v8 =	vld.idx.msk [tilespmem:v8+s11+$0x0], $0xffff  }
0x1e0: {  	v10 =	vor.u32 v10, v12  }
0x1e1: {  	v12 =	vor.u32 v1, v10  }
0x1e2: {  	v52 =	vor.u32 s9, v2  }
0x1e3: {  	v53 =	vor.u32 v3, v9  }
0x1e4: {  	v8 =	vadd.f32 v8, v50;
	_ =	sdelay $0x1  }
0x1e5: {  	[tilespmem:v12+s24+$0x0] =	vst.idx.msk $0xffff, v8  }
0x1e6: {  	v8 =	vld.idx.msk [tilespmem:v52+s19+$0x0], $0xffff  }
0x1e7: {  	v54 =	vld.idx.msk [tilespmem:v53+s11+$0x0], $0xffff;
	_ =	sdelay $0x1  }
0x1e8: {  	v55 =	vor.u32 v3, v10  }
0x1e9: {  	v56 =	vor.u32 s9, v4  }
0x1ea: {  	v57 =	vor.u32 v5, v9  }
0x1eb: {  	v8 =	vadd.f32 v54, v8;
	_ =	sdelay $0x1  }
0x1ec: {  	[tilespmem:v55+s24+$0x0] =	vst.idx.msk $0xffff, v8  }
0x1ed: {  	v8 =	vld.idx.msk [tilespmem:v56+s19+$0x0], $0xffff  }
0x1ee: {  	v58 =	vld.idx.msk [tilespmem:v57+s11+$0x0], $0xffff;
	_ =	sdelay $0x1  }
0x1ef: {  	v59 =	vor.u32 v5, v10  }
0x1f0: {  	v60 =	vor.u32 s9, v6  }
0x1f1: {  	v9 =	vor.u32 v7, v9  }
0x1f2: {  	v8 =	vadd.f32 v58, v8;
	_ =	sdelay $0x1  }
0x1f3: {  	[tilespmem:v59+s24+$0x0] =	vst.idx.msk $0xffff, v8  }
0x1f4: {  	v8 =	vld.idx.msk [tilespmem:v60+s19+$0x0], $0xffff  }
0x1f5: {  	v9 =	vld.idx.msk [tilespmem:v9+s11+$0x0], $0xffff;
	_ =	sdelay $0x1  }
0x1f6: {  	s2 =	sadd.s32 $0x2, s28;
	v10 =	vor.u32 v7, v10  }
0x1f7: {  	v61 =	vmov s2  }
0x1f8: {  	v62 =	vshll.u32 v61, $0x3  }
0x1f9: {  	s3 =	sand.u32 $0x7F, s10;
	v63 =	vand.u32 $0x72, v61;
	v16 =	vand.u32 $0x400, v62;
	v8 =	vadd.f32 v9, v8  }
0x1fa: {  	v17 =	vor.u32 s3, v0;
	v9 =	vor.u32 v63, v16  }
0x1fb: {  	[tilespmem:v10+s24+$0x0] =	vst.idx.msk $0xffff, v8;
	v8 =	vor.u32 v1, v9  }
0x1fc: {  	_ =	swait.ge [sflag:s23], $0x2000  }
0x1fd: {  	s5 =	sadd.s32 $0xFFFFFFFE, s26;
	[sflag:s23] =	ssyncset.done $0x0  }
0x1fe: {  	v18 =	vmov s5;
	[sflag:s23] =	ssyncadd.s32 $0xFFFFE000  }
0x1ff: {  	v20 =	vshll.u32 v18, $0x3;
	v19 =	vld.idx.msk [tilespmem:v17+s20+$0x0], $0xffff  }
0x200: {  	v12 =	vand.u32 $0x400, v20;
	v10 =	vand.u32 $0x7D, v18;
	v8 =	vld.idx.msk [tilespmem:v8+s11+$0x0], $0xffff  }
0x201: {  	v10 =	vor.u32 v10, v12  }
0x202: {  	v12 =	vor.u32 v1, v10  }
0x203: {  	v21 =	vor.u32 s3, v2  }
0x204: {  	v22 =	vor.u32 v3, v9  }
0x205: {  	v8 =	vadd.f32 v8, v19;
	_ =	sdelay $0x1  }
0x206: {  	[tilespmem:v12+s24+$0x0] =	vst.idx.msk $0xffff, v8  }
0x207: {  	v8 =	vld.idx.msk [tilespmem:v21+s20+$0x0], $0xffff  }
0x208: {  	v23 =	vld.idx.msk [tilespmem:v22+s11+$0x0], $0xffff;
	_ =	sdelay $0x1  }
0x209: {  	v24 =	vor.u32 v3, v10  }
0x20a: {  	v25 =	vor.u32 s3, v4  }
0x20b: {  	v26 =	vor.u32 v5, v9  }
0x20c: {  	v8 =	vadd.f32 v23, v8;
	_ =	sdelay $0x1  }
0x20d: {  	[tilespmem:v24+s24+$0x0] =	vst.idx.msk $0xffff, v8  }
0x20e: {  	v8 =	vld.idx.msk [tilespmem:v25+s20+$0x0], $0xffff  }
0x20f: {  	v27 =	vld.idx.msk [tilespmem:v26+s11+$0x0], $0xffff;
	_ =	sdelay $0x1  }
0x210: {  	v28 =	vor.u32 v5, v10  }
0x211: {  	v29 =	vor.u32 s3, v6  }
0x212: {  	v9 =	vor.u32 v7, v9  }
0x213: {  	v8 =	vadd.f32 v27, v8;
	_ =	sdelay $0x1  }
0x214: {  	[tilespmem:v28+s24+$0x0] =	vst.idx.msk $0xffff, v8  }
0x215: {  	v8 =	vld.idx.msk [tilespmem:v29+s20+$0x0], $0xffff  }
0x216: {  	v9 =	vld.idx.msk [tilespmem:v9+s11+$0x0], $0xffff;
	_ =	sdelay $0x1  }
0x217: {  	s9 =	sadd.s32 $0x1, s28;
	v10 =	vor.u32 v7, v10  }
0x218: {  	v30 =	vmov s9  }
0x219: {  	v31 =	vshll.u32 v30, $0x3  }
0x21a: {  	s10 =	sand.u32 $0x7F, s4;
	v32 =	vand.u32 $0x71, v30;
	v33 =	vand.u32 $0x400, v31;
	v8 =	vadd.f32 v9, v8  }
0x21b: {  	v34 =	vor.u32 s10, v0;
	v9 =	vor.u32 v32, v33  }
0x21c: {  	[tilespmem:v10+s24+$0x0] =	vst.idx.msk $0xffff, v8;
	v8 =	vor.u32 v1, v9  }
0x21d: {  	_ =	swait.ge [sflag:s23], $0x2000  }
0x21e: {  	s30 =	sadd.s32 $0xFFFFFFFF, s26;
	[sflag:s23] =	ssyncset.done $0x0  }
0x21f: {  	v35 =	vmov s30;
	[sflag:s23] =	ssyncadd.s32 $0xFFFFE000  }
0x220: {  	v37 =	vshll.u32 v35, $0x3;
	v36 =	vld.idx.msk [tilespmem:v34+s21+$0x0], $0xffff  }
0x221: {  	v12 =	vand.u32 $0x400, v37;
	v10 =	vand.u32 $0x7E, v35;
	v8 =	vld.idx.msk [tilespmem:v8+s11+$0x0], $0xffff  }
0x222: {  	v10 =	vor.u32 v10, v12  }
0x223: {  	v12 =	vor.u32 v1, v10  }
0x224: {  	v38 =	vor.u32 s10, v2  }
0x225: {  	v39 =	vor.u32 v3, v9  }
0x226: {  	v8 =	vadd.f32 v8, v36;
	_ =	sdelay $0x1  }
0x227: {  	[tilespmem:v12+s24+$0x0] =	vst.idx.msk $0xffff, v8  }
0x228: {  	v8 =	vld.idx.msk [tilespmem:v38+s21+$0x0], $0xffff  }
0x229: {  	v40 =	vld.idx.msk [tilespmem:v39+s11+$0x0], $0xffff;
	_ =	sdelay $0x1  }
0x22a: {  	v41 =	vor.u32 v3, v10  }
0x22b: {  	v42 =	vor.u32 s10, v4  }
0x22c: {  	v43 =	vor.u32 v5, v9  }
0x22d: {  	v8 =	vadd.f32 v40, v8;
	_ =	sdelay $0x1  }
0x22e: {  	[tilespmem:v41+s24+$0x0] =	vst.idx.msk $0xffff, v8  }
0x22f: {  	v8 =	vld.idx.msk [tilespmem:v42+s21+$0x0], $0xffff  }
0x230: {  	v44 =	vld.idx.msk [tilespmem:v43+s11+$0x0], $0xffff;
	_ =	sdelay $0x1  }
0x231: {  	v45 =	vor.u32 v5, v10  }
0x232: {  	v46 =	vor.u32 s10, v6  }
0x233: {  	v9 =	vor.u32 v7, v9  }
0x234: {  	v8 =	vadd.f32 v44, v8;
	_ =	sdelay $0x1  }
0x235: {  	[tilespmem:v45+s24+$0x0] =	vst.idx.msk $0xffff, v8  }
0x236: {  	v8 =	vld.idx.msk [tilespmem:v46+s21+$0x0], $0xffff  }
0x237: {  	v9 =	vld.idx.msk [tilespmem:v9+s11+$0x0], $0xffff;
	_ =	sdelay $0x1  }
0x238: {  	v10 =	vor.u32 v7, v10  }
0x239: {  	v47 =	vmov s28  }
0x23a: {  	v48 =	vshll.u32 v47, $0x3  }
0x23b: {  	s31 =	sand.u32 $0x7F, s31;
	v49 =	vand.u32 $0x70, v47;
	v50 =	vand.u32 $0x400, v48;
	v8 =	vadd.f32 v9, v8  }
0x23c: {  	v51 =	vor.u32 s31, v0;
	v9 =	vor.u32 v49, v50  }
0x23d: {  	[tilespmem:v10+s24+$0x0] =	vst.idx.msk $0xffff, v8;
	v8 =	vor.u32 v1, v9  }
0x23e: {  	_ =	swait.ge [sflag:s23], $0x2000  }
0x23f: {  	[sflag:s23] =	ssyncset.done $0x0  }
0x240: {  	v52 =	vmov s26;
	[sflag:s23] =	ssyncadd.s32 $0xFFFFE000  }
0x241: {  	v54 =	vshll.u32 v52, $0x3;
	v53 =	vld.idx.msk [tilespmem:v51+s22+$0x0], $0xffff  }
0x242: {  	v12 =	vand.u32 $0x400, v54;
	v10 =	vand.u32 $0x7F, v52;
	v8 =	vld.idx.msk [tilespmem:v8+s11+$0x0], $0xffff  }
0x243: {  	v10 =	vor.u32 v10, v12  }
0x244: {  	v12 =	vor.u32 v1, v10  }
0x245: {  	v55 =	vor.u32 s31, v2  }
0x246: {  	v56 =	vor.u32 v3, v9  }
0x247: {  	v8 =	vadd.f32 v8, v53;
	_ =	sdelay $0x1  }
0x248: {  	[tilespmem:v12+s24+$0x0] =	vst.idx.msk $0xffff, v8  }
0x249: {  	v8 =	vld.idx.msk [tilespmem:v55+s22+$0x0], $0xffff  }
0x24a: {  	v57 =	vld.idx.msk [tilespmem:v56+s11+$0x0], $0xffff;
	_ =	sdelay $0x1  }
0x24b: {  	v58 =	vor.u32 v3, v10  }
0x24c: {  	v59 =	vor.u32 s31, v4  }
0x24d: {  	v60 =	vor.u32 v5, v9  }
0x24e: {  	v8 =	vadd.f32 v57, v8;
	_ =	sdelay $0x1  }
0x24f: {  	[tilespmem:v58+s24+$0x0] =	vst.idx.msk $0xffff, v8  }
0x250: {  	v8 =	vld.idx.msk [tilespmem:v59+s22+$0x0], $0xffff  }
0x251: {  	v61 =	vld.idx.msk [tilespmem:v60+s11+$0x0], $0xffff;
	_ =	sdelay $0x1  }
0x252: {  	v62 =	vor.u32 v5, v10  }
0x253: {  	v63 =	vor.u32 s31, v6  }
0x254: {  	v9 =	vor.u32 v7, v9  }
0x255: {  	v8 =	vadd.f32 v61, v8;
	_ =	sdelay $0x1  }
0x256: {  	[tilespmem:v62+s24+$0x0] =	vst.idx.msk $0xffff, v8  }
0x257: {  	v8 =	vld.idx.msk [tilespmem:v63+s22+$0x0], $0xffff  }
0x258: {  	v9 =	vld.idx.msk [tilespmem:v9+s11+$0x0], $0xffff;
	_ =	sdelay $0x1  }
0x259: {  	p0 =	sne.s32 s26, $0xFF;
	v10 =	vor.u32 v7, v10  }
.Ltmp0:
0x25a: {  	_ = 	snop;
	(pc) =	sbr.rel @p0 .LBB2_2-.Ltmp0, $3  }
0x25b: {  	_ = 	snop  }
0x25c: {  	v8 =	vadd.f32 v9, v8;
	_ =	sdelay $0x1  }
0x25d: {  	s29 =	sadd.s32 $0x10, s29;
	s28 =	sadd.s32 $0xFFFFFFF0, s28;
	s26 =	sadd.s32 $0x10, s26;
	[tilespmem:v10+s24+$0x0] =	vst.idx.msk $0xffff, v8  }
0x25e: {  	s25 =	sadd.s32 $0x1, s25  }
0x25f: {  	p0 =	sne.s32 s25, s7  }
.Ltmp1:
0x260: {  	s3 =	simm.s32 $0x800;
	s4 =	simm.s32 $0x10000;
	(pc) =	sbr.rel @p0 .LBB2_1-.Ltmp1, $4  }
0x261: {  	[hbm4b:s6+s3] =	stream.strided.scatter [tilespmem:s24], [sflag:$0x3], $0x4000, s4, s3, $0x38;
	[tilespmem:$0x18100] =	vst v63  }
0x262: {  	_ =	swait.ge [sflag:s8], $0x4000  }
0x263: {  	[sflag:s8] =	ssyncset.done $0x0  }
0x264: {  	[sflag:s8] =	ssyncadd.s32 $0xFFFFC000  }
0x265: {  	_ =	sfence.sel $0x180000  }
0x266: {  	[bflag:$0x0] =	sbarrier.arrive $0xFFFF  }
0x267: {  	_ =	strace $0x90000047  }
0x268: {  	s0 =	stileid.u32;
	[bflag:$0x2] =	sbarrier.arrive $0xFFFF  }
0x269: {  	p0 =	sne.s32 s0, $0x0;
	s0 =	rddreg [dreg:$0x4]  }
0x26a: {  	s0 =	sadd.s32 @!p0 $0x100000, s0  }
0x26b: {  	[sflag:s0] =	ssyncadd.tile.s32 @!p0 $0x1;
	_ =	shalt  }
.Lfunc_end2:
_tile_overlayer_lowered:
.L_overlay_start_2:
0x26c: {  	(tag) =	ssettag $0x2  }
0x26d: {  	s0 =	rddreg [dreg:$0x0];
	s2 =	stileid.u32  }
0x26e: {  	s1 =	rddreg [dreg:$0x1];
	p0 =	sne.s32 s2, $0x0  }
0x26f: {  	s3 =	rddreg [dreg:$0x2];
	[bflag:$0x3] =	sbarrier.arrive $0xFFFF;
	s2 =	simm.s32 @!p0 $0x1C03  }
0x270: {  	[timem:s3], [sflag:s2] =	dma.local @!p0 [hbm:s0], s1  }
0x271: {  	s0 =	simm.s32 @!p0 $0x3  }
0x272: {  	_ =	swait.ge @!p0 [sflag:s0], s1  }
0x273: {  	s1 =	ssub.s32 @!p0 $0x0, s1;
	[sflag:s0] =	ssyncset.done @!p0 $0x0  }
0x274: {  	[sflag:s0] =	ssyncadd.s32 @!p0 s1  }
0x275: {  	[bflag:$0x3] =	sbarrier.arrive $0xFFFF  }
0x276: {  	_ =	shalt  }

</sc_bundles>
